<compile_context>
chip_gen: v7x
topology: tpu7x:2x2x1
jax: 0.10.2.dev20260603
libtpu: 0.0.44.dev20260713+nightly
codegen_flags: <defaults>
</compile_context>

<pallas_src>
import functools

import jax
import jax.numpy as jnp
from jax import lax
from jax.experimental import pallas as pl
from jax.experimental.pallas import tpu as pltpu
from jax.experimental.pallas import tpu_sc as plsc

N = 320000
D = 128
NSEG = 10000

NC = 2
NS = 16
L = 16

NSEG_PAD = 10240
SLICE = NSEG_PAD // NS
MV_B = 12800
CHUNKS = ((0, 268800), (268800, 51200))

ZUNROLL = 8
SUNROLL = 5


def _matvec_body(x_ref, w_ref, b_ref, o_ref):
    xb = x_ref[0]
    s = jax.lax.dot_general(
        w_ref[...], xb, (((1,), (1,)), ((), ())),
        preferred_element_type=jnp.float32,
    )
    o_ref[...] = (s + b_ref[0, 0]).reshape(1, 1, MV_B)


def _matvec_part(x3, w_row, b11, blk0, nblk):
    out = pl.pallas_call(
        _matvec_body,
        grid=(nblk,),
        in_specs=[
            pl.BlockSpec((1, MV_B, D), lambda i: (i + blk0, 0, 0)),
            pl.BlockSpec((1, D), lambda i: (0, 0)),
            pl.BlockSpec((1, 1), lambda i: (0, 0), memory_space=pltpu.SMEM),
        ],
        out_specs=pl.BlockSpec((1, 1, MV_B), lambda i: (i, 0, 0)),
        out_shape=jax.ShapeDtypeStruct((nblk, 1, MV_B), jnp.float32),
    )(x3, w_row, b11)
    return out.reshape(nblk * MV_B)


def _make_segsum(off, total):
    chunk = total // (NC * NS)

    def body(batch_hbm, y_hbm, out_hbm, idx_v, y_v, acc, stage, red_v, acc2,
             sem_i, sem_y):
        c = lax.axis_index("c")
        s = lax.axis_index("s")
        wid = s * NC + c
        base = wid * chunk

        cp_i = pltpu.async_copy(batch_hbm.at[pl.ds(off + base, chunk)], idx_v, sem_i)
        cp_y = pltpu.async_copy(y_hbm.at[pl.ds(base, chunk)], y_v, sem_y)

        zero = jnp.zeros((L,), jnp.float32)

        def zbody(i, _):
            for u in range(ZUNROLL):
                acc[pl.ds((i * ZUNROLL + u) * L, L)] = zero
            return 0

        lax.fori_loop(0, NSEG_PAD // L // ZUNROLL, zbody, 0)
        cp_i.wait()
        cp_y.wait()

        def sbody(i, _):
            for u in range(SUNROLL):
                sl = pl.ds((i * SUNROLL + u) * L, L)
                plsc.addupdate_scatter(acc, [idx_v[sl]], y_v[sl])
            return 0

        lax.fori_loop(0, chunk // L // SUNROLL, sbody, 0)

        pltpu.sync_copy(acc, stage.at[s])
        plsc.subcore_barrier()
        pltpu.sync_copy(stage.at[:, pl.ds(s * SLICE, SLICE)], red_v)

        def rbody(j, _):
            sl = pl.ds(j * L, L)
            v = red_v[0, sl]
            for k in range(1, NS):
                v = v + red_v[k, sl]
            acc2[sl] = v
            return 0

        lax.fori_loop(0, SLICE // L, rbody, 0)

        pltpu.sync_copy(acc2, out_hbm.at[pl.ds(c * NSEG_PAD + s * SLICE, SLICE)])

    return pl.kernel(
        body,
        out_type=jax.ShapeDtypeStruct((NC * NSEG_PAD,), jnp.float32),
        mesh=plsc.VectorSubcoreMesh(core_axis_name="c", subcore_axis_name="s"),
        compiler_params=pltpu.CompilerParams(needs_layout_passes=False),
        scratch_types=[
            pltpu.VMEM((chunk,), jnp.int32),
            pltpu.VMEM((chunk,), jnp.float32),
            pltpu.VMEM((NSEG_PAD,), jnp.float32),
            pltpu.VMEM_SHARED((NS, NSEG_PAD), jnp.float32),
            pltpu.VMEM((NS, SLICE), jnp.float32),
            pltpu.VMEM((SLICE,), jnp.float32),
            pltpu.SemaphoreType.DMA,
            pltpu.SemaphoreType.DMA,
        ],
    )


@functools.cache
def _segsum_kernels():
    return tuple(_make_segsum(off, total) for off, total in CHUNKS)


def kernel(atom_batch, x, W, b):
    ids = atom_batch.astype(jnp.int32)
    w_row = W.reshape(1, D).astype(jnp.float32)
    b11 = b.reshape(1, 1).astype(jnp.float32)
    x3 = x.reshape(N // MV_B, MV_B, D)
    segsums = _segsum_kernels()
    acc = None
    blk0 = 0
    for (off, total), segsum in zip(CHUNKS, segsums):
        nblk = total // MV_B
        y_part = _matvec_part(x3, w_row, b11, blk0, nblk)
        blk0 += nblk
        partials = segsum(ids, y_part).reshape(NC, NSEG_PAD)
        part = partials[0] + partials[1]
        acc = part if acc is None else acc + part
    return acc[:NSEG]

# --- scband reference (transcript-rebuilt; emitter-appended) ---
"""Pipeline reference for scband-atomwise-68856915689634 (READ-ONLY COPY).

The authoritative reference and input builder live on the scoring server;
editing this copy changes nothing except your own understanding.
"""

import jax, jax.numpy as jnp
import numpy as np

N = 320000
D = 128
NSEG = 10000

def setup_inputs(seed: int = 0) -> dict:
    key = jax.random.key(seed)
    k1, k2, k3 = jax.random.split(key, 3)
    atom_batch = jnp.sort(jax.random.randint(k1, (N,), 0, NSEG, dtype=jnp.int64))
    x = jax.random.normal(k2, (N, D), dtype=jnp.float32)
    # outnet = build_mlp(128, 1): a single Linear(128 -> 1)
    W = jax.random.normal(k3, (D, 1), dtype=jnp.float32) * (1.0 / np.sqrt(D))
    b = jnp.zeros((1,), dtype=jnp.float32)
    return {"atom_batch": atom_batch, "x": x, "W": W, "b": b}

def reference(atom_batch, x, W, b):
    # y = self.outnet(inputs[1])
    y = x @ W + b  # [N, 1]
    # result = index_add(zeros((max(atom_batch)+1, *y.shape[1:])), 0, atom_batch, y)
    n_seg = NSEG
    result = jnp.zeros((n_seg, y.shape[1]), dtype=y.dtype).at[atom_batch].add(y)
    # return result.squeeze()
    return jnp.squeeze(result)

if __name__ == "__main__":
    import jax
    _d = setup_inputs()
    print(jax.jit(kernel)(*tuple(_d.values())))

</pallas_src>

<mosaic_0001>
#map = affine_map<(d0, d1) -> (0)>
module attributes {stable_mosaic.version = 14 : i64} {
  func.func @body(%arg0: i32, %arg1: i32, %arg2: memref<320000xi32, #tpu.memory_space<hbm>>, %arg3: memref<51200xf32, #tpu.memory_space<hbm>>, %arg4: memref<20480xf32, #tpu.memory_space<hbm>>, %arg5: memref<1600xi32, #tpu.memory_space<vmem>>, %arg6: memref<1600xf32, #tpu.memory_space<vmem>>, %arg7: memref<10240xf32, #tpu.memory_space<vmem>>, %arg8: memref<16x10240xf32, #tpu.memory_space<vmem_shared>>, %arg9: memref<16x640xf32, #tpu.memory_space<vmem>>, %arg10: memref<640xf32, #tpu.memory_space<vmem>>, %arg11: memref<!tpu.dma_semaphore, #tpu.memory_space<semaphore_mem>>, %arg12: memref<!tpu.dma_semaphore, #tpu.memory_space<semaphore_mem>>) attributes {dimension_semantics = [#tpu.dimension_semantics<core_parallel>, #tpu.dimension_semantics<subcore_parallel>], iteration_bounds = array<i64: 2, 16>, scalar_prefetch = 0 : i64, scratch_operands = 8 : i64, tpu.core_type = #tpu.core_type<sc_vector_subcore>, window_params = [{transform_indices = #map}, {transform_indices = #map}, {transform_indices = #map}]} {
    %mul3A = arith.constant 2 : i32
    %mul3A_0 = arith.muli %arg1, %mul3A : i32
    %add3A = arith.addi %mul3A_0, %arg0 : i32
    %mul3A_1 = arith.constant 1600 : i32
    %mul3A_2 = arith.muli %add3A, %mul3A_1 : i32
    %add3A_3 = arith.constant 268800 : i32
    %add3A_4 = arith.addi %add3A_3, %mul3A_2 : i32
    %dma_start3A = tpu.memref_slice %arg2[%add3A_4] : memref<320000xi32, #tpu.memory_space<hbm>> -> memref<1600xi32, #tpu.memory_space<hbm>>
    %dma_start3A_5 = tpu.memref_slice %arg2[%add3A_4] : memref<320000xi32, #tpu.memory_space<hbm>> -> memref<1600xi32, #tpu.memory_space<hbm>>
    tpu.enqueue_dma source(%dma_start3A_5 : memref<1600xi32, #tpu.memory_space<hbm>>) target(%arg5 : memref<1600xi32, #tpu.memory_space<vmem>>) target_semaphore(%arg11 : memref<!tpu.dma_semaphore, #tpu.memory_space<semaphore_mem>>)
    %dma_start3A_6 = tpu.memref_slice %arg3[%mul3A_2] : memref<51200xf32, #tpu.memory_space<hbm>> -> memref<1600xf32, #tpu.memory_space<hbm>>
    %dma_start3A_7 = tpu.memref_slice %arg3[%mul3A_2] : memref<51200xf32, #tpu.memory_space<hbm>> -> memref<1600xf32, #tpu.memory_space<hbm>>
    tpu.enqueue_dma source(%dma_start3A_7 : memref<1600xf32, #tpu.memory_space<hbm>>) target(%arg6 : memref<1600xf32, #tpu.memory_space<vmem>>) target_semaphore(%arg12 : memref<!tpu.dma_semaphore, #tpu.memory_space<semaphore_mem>>)
    %broadcast_in_dim3A = arith.constant 0.000000e+00 : f32
    %broadcast_in_dim3A_8 = vector.broadcast %broadcast_in_dim3A : f32 to vector<16xf32>
    %scan3A = arith.constant 0 : i32
    %scan3A_9 = arith.constant 0 : i32
    %scan3A_10 = arith.constant 80 : i32
    %scan3A_11 = arith.addi %scan3A_9, %scan3A_10 : i32
    %scan3A_12 = arith.constant 1 : i32
    %scan3A_13 = scf.for %scan3A_39 = %scan3A_9 to %scan3A_11 step %scan3A_12 iter_args(%scan3A_40 = %scan3A) -> (i32)  : i32 {
      %mul3A_41 = arith.constant 8 : i32
      %mul3A_42 = arith.muli %scan3A_39, %mul3A_41 : i32
      %add3A_43 = arith.constant 0 : i32
      %add3A_44 = arith.addi %mul3A_42, %add3A_43 : i32
      %mul3A_45 = arith.constant 16 : i32
      %mul3A_46 = arith.muli %add3A_44, %mul3A_45 : i32
      %swap3A = arith.index_cast %mul3A_46 : i32 to index
      %swap3A_47 = tpu.vector_load %arg7[%swap3A] {strides = array<i32>} : memref<10240xf32, #tpu.memory_space<vmem>>, vector<16xf32>,
      tpu.vector_store %arg7[%swap3A], %broadcast_in_dim3A_8 {strides = array<i32>} : memref<10240xf32, #tpu.memory_space<vmem>>, vector<16xf32>,
      %mul3A_48 = arith.constant 8 : i32
      %mul3A_49 = arith.muli %scan3A_39, %mul3A_48 : i32
      %add3A_50 = arith.constant 1 : i32
      %add3A_51 = arith.addi %mul3A_49, %add3A_50 : i32
      %mul3A_52 = arith.constant 16 : i32
      %mul3A_53 = arith.muli %add3A_51, %mul3A_52 : i32
      %swap3A_54 = arith.index_cast %mul3A_53 : i32 to index
      %swap3A_55 = tpu.vector_load %arg7[%swap3A_54] {strides = array<i32>} : memref<10240xf32, #tpu.memory_space<vmem>>, vector<16xf32>,
      tpu.vector_store %arg7[%swap3A_54], %broadcast_in_dim3A_8 {strides = array<i32>} : memref<10240xf32, #tpu.memory_space<vmem>>, vector<16xf32>,
      %mul3A_56 = arith.constant 8 : i32
      %mul3A_57 = arith.muli %scan3A_39, %mul3A_56 : i32
      %add3A_58 = arith.constant 2 : i32
      %add3A_59 = arith.addi %mul3A_57, %add3A_58 : i32
      %mul3A_60 = arith.constant 16 : i32
      %mul3A_61 = arith.muli %add3A_59, %mul3A_60 : i32
      %swap3A_62 = arith.index_cast %mul3A_61 : i32 to index
      %swap3A_63 = tpu.vector_load %arg7[%swap3A_62] {strides = array<i32>} : memref<10240xf32, #tpu.memory_space<vmem>>, vector<16xf32>,
      tpu.vector_store %arg7[%swap3A_62], %broadcast_in_dim3A_8 {strides = array<i32>} : memref<10240xf32, #tpu.memory_space<vmem>>, vector<16xf32>,
      %mul3A_64 = arith.constant 8 : i32
      %mul3A_65 = arith.muli %scan3A_39, %mul3A_64 : i32
      %add3A_66 = arith.constant 3 : i32
      %add3A_67 = arith.addi %mul3A_65, %add3A_66 : i32
      %mul3A_68 = arith.constant 16 : i32
      %mul3A_69 = arith.muli %add3A_67, %mul3A_68 : i32
      %swap3A_70 = arith.index_cast %mul3A_69 : i32 to index
      %swap3A_71 = tpu.vector_load %arg7[%swap3A_70] {strides = array<i32>} : memref<10240xf32, #tpu.memory_space<vmem>>, vector<16xf32>,
      tpu.vector_store %arg7[%swap3A_70], %broadcast_in_dim3A_8 {strides = array<i32>} : memref<10240xf32, #tpu.memory_space<vmem>>, vector<16xf32>,
      %mul3A_72 = arith.constant 8 : i32
      %mul3A_73 = arith.muli %scan3A_39, %mul3A_72 : i32
      %add3A_74 = arith.constant 4 : i32
      %add3A_75 = arith.addi %mul3A_73, %add3A_74 : i32
      %mul3A_76 = arith.constant 16 : i32
      %mul3A_77 = arith.muli %add3A_75, %mul3A_76 : i32
      %swap3A_78 = arith.index_cast %mul3A_77 : i32 to index
      %swap3A_79 = tpu.vector_load %arg7[%swap3A_78] {strides = array<i32>} : memref<10240xf32, #tpu.memory_space<vmem>>, vector<16xf32>,
      tpu.vector_store %arg7[%swap3A_78], %broadcast_in_dim3A_8 {strides = array<i32>} : memref<10240xf32, #tpu.memory_space<vmem>>, vector<16xf32>,
      %mul3A_80 = arith.constant 8 : i32
      %mul3A_81 = arith.muli %scan3A_39, %mul3A_80 : i32
      %add3A_82 = arith.constant 5 : i32
      %add3A_83 = arith.addi %mul3A_81, %add3A_82 : i32
      %mul3A_84 = arith.constant 16 : i32
      %mul3A_85 = arith.muli %add3A_83, %mul3A_84 : i32
      %swap3A_86 = arith.index_cast %mul3A_85 : i32 to index
      %swap3A_87 = tpu.vector_load %arg7[%swap3A_86] {strides = array<i32>} : memref<10240xf32, #tpu.memory_space<vmem>>, vector<16xf32>,
      tpu.vector_store %arg7[%swap3A_86], %broadcast_in_dim3A_8 {strides = array<i32>} : memref<10240xf32, #tpu.memory_space<vmem>>, vector<16xf32>,
      %mul3A_88 = arith.constant 8 : i32
      %mul3A_89 = arith.muli %scan3A_39, %mul3A_88 : i32
      %add3A_90 = arith.constant 6 : i32
      %add3A_91 = arith.addi %mul3A_89, %add3A_90 : i32
      %mul3A_92 = arith.constant 16 : i32
      %mul3A_93 = arith.muli %add3A_91, %mul3A_92 : i32
      %swap3A_94 = arith.index_cast %mul3A_93 : i32 to index
      %swap3A_95 = tpu.vector_load %arg7[%swap3A_94] {strides = array<i32>} : memref<10240xf32, #tpu.memory_space<vmem>>, vector<16xf32>,
      tpu.vector_store %arg7[%swap3A_94], %broadcast_in_dim3A_8 {strides = array<i32>} : memref<10240xf32, #tpu.memory_space<vmem>>, vector<16xf32>,
      %mul3A_96 = arith.constant 8 : i32
      %mul3A_97 = arith.muli %scan3A_39, %mul3A_96 : i32
      %add3A_98 = arith.constant 7 : i32
      %add3A_99 = arith.addi %mul3A_97, %add3A_98 : i32
      %mul3A_100 = arith.constant 16 : i32
      %mul3A_101 = arith.muli %add3A_99, %mul3A_100 : i32
      %swap3A_102 = arith.index_cast %mul3A_101 : i32 to index
      %swap3A_103 = tpu.vector_load %arg7[%swap3A_102] {strides = array<i32>} : memref<10240xf32, #tpu.memory_space<vmem>>, vector<16xf32>,
      tpu.vector_store %arg7[%swap3A_102], %broadcast_in_dim3A_8 {strides = array<i32>} : memref<10240xf32, #tpu.memory_space<vmem>>, vector<16xf32>,
      %scan3A_104 = arith.constant 0 : i32
      scf.yield %scan3A_104 : i32
    }
    %scan3A_14 = arith.constant 80 : i32
    %dma_wait3A = tpu.memref_slice %arg2[%add3A_4] : memref<320000xi32, #tpu.memory_space<hbm>> -> memref<1600xi32, #tpu.memory_space<hbm>>
    %dma_wait3A_15 = tpu.memref_slice %arg2[%add3A_4] : memref<320000xi32, #tpu.memory_space<hbm>> -> memref<1600xi32, #tpu.memory_space<hbm>>
    tpu.wait_dma2 semaphore(%arg11 : memref<!tpu.dma_semaphore, #tpu.memory_space<semaphore_mem>>) src(%dma_wait3A_15 : memref<1600xi32, #tpu.memory_space<hbm>>) dst(%arg5 : memref<1600xi32, #tpu.memory_space<vmem>>)
    %dma_wait3A_16 = tpu.memref_slice %arg3[%mul3A_2] : memref<51200xf32, #tpu.memory_space<hbm>> -> memref<1600xf32, #tpu.memory_space<hbm>>
    %dma_wait3A_17 = tpu.memref_slice %arg3[%mul3A_2] : memref<51200xf32, #tpu.memory_space<hbm>> -> memref<1600xf32, #tpu.memory_space<hbm>>
    tpu.wait_dma2 semaphore(%arg12 : memref<!tpu.dma_semaphore, #tpu.memory_space<semaphore_mem>>) src(%dma_wait3A_17 : memref<1600xf32, #tpu.memory_space<hbm>>) dst(%arg6 : memref<1600xf32, #tpu.memory_space<vmem>>)
    %scan3A_18 = arith.constant 0 : i32
    %scan3A_19 = arith.constant 0 : i32
    %scan3A_20 = arith.constant 20 : i32
    %scan3A_21 = arith.addi %scan3A_19, %scan3A_20 : i32
    %scan3A_22 = arith.constant 1 : i32
    %scan3A_23 = scf.for %scan3A_39 = %scan3A_19 to %scan3A_21 step %scan3A_22 iter_args(%scan3A_40 = %scan3A_18) -> (i32)  : i32 {
      %mul3A_41 = arith.constant 5 : i32
      %mul3A_42 = arith.muli %scan3A_39, %mul3A_41 : i32
      %add3A_43 = arith.constant 0 : i32
      %add3A_44 = arith.addi %mul3A_42, %add3A_43 : i32
      %mul3A_45 = arith.constant 16 : i32
      %mul3A_46 = arith.muli %add3A_44, %mul3A_45 : i32
      %get3A = arith.index_cast %mul3A_46 : i32 to index
      %get3A_47 = tpu.vector_load %arg5[%get3A] {strides = array<i32>} : memref<1600xi32, #tpu.memory_space<vmem>>, vector<16xi32>,
      %get3A_48 = arith.index_cast %mul3A_46 : i32 to index
      %get3A_49 = tpu.vector_load %arg6[%get3A_48] {strides = array<i32>} : memref<1600xf32, #tpu.memory_space<vmem>>, vector<16xf32>,
      tpu.vector_store_idx %arg7[%get3A_47], %get3A_49 {add = true} : memref<10240xf32, #tpu.memory_space<vmem>>[vector<16xi32>], vector<16xf32>,
      %mul3A_50 = arith.constant 5 : i32
      %mul3A_51 = arith.muli %scan3A_39, %mul3A_50 : i32
      %add3A_52 = arith.constant 1 : i32
      %add3A_53 = arith.addi %mul3A_51, %add3A_52 : i32
      %mul3A_54 = arith.constant 16 : i32
      %mul3A_55 = arith.muli %add3A_53, %mul3A_54 : i32
      %get3A_56 = arith.index_cast %mul3A_55 : i32 to index
      %get3A_57 = tpu.vector_load %arg5[%get3A_56] {strides = array<i32>} : memref<1600xi32, #tpu.memory_space<vmem>>, vector<16xi32>,
      %get3A_58 = arith.index_cast %mul3A_55 : i32 to index
      %get3A_59 = tpu.vector_load %arg6[%get3A_58] {strides = array<i32>} : memref<1600xf32, #tpu.memory_space<vmem>>, vector<16xf32>,
      tpu.vector_store_idx %arg7[%get3A_57], %get3A_59 {add = true} : memref<10240xf32, #tpu.memory_space<vmem>>[vector<16xi32>], vector<16xf32>,
      %mul3A_60 = arith.constant 5 : i32
      %mul3A_61 = arith.muli %scan3A_39, %mul3A_60 : i32
      %add3A_62 = arith.constant 2 : i32
      %add3A_63 = arith.addi %mul3A_61, %add3A_62 : i32
      %mul3A_64 = arith.constant 16 : i32
      %mul3A_65 = arith.muli %add3A_63, %mul3A_64 : i32
      %get3A_66 = arith.index_cast %mul3A_65 : i32 to index
      %get3A_67 = tpu.vector_load %arg5[%get3A_66] {strides = array<i32>} : memref<1600xi32, #tpu.memory_space<vmem>>, vector<16xi32>,
      %get3A_68 = arith.index_cast %mul3A_65 : i32 to index
      %get3A_69 = tpu.vector_load %arg6[%get3A_68] {strides = array<i32>} : memref<1600xf32, #tpu.memory_space<vmem>>, vector<16xf32>,
      tpu.vector_store_idx %arg7[%get3A_67], %get3A_69 {add = true} : memref<10240xf32, #tpu.memory_space<vmem>>[vector<16xi32>], vector<16xf32>,
      %mul3A_70 = arith.constant 5 : i32
      %mul3A_71 = arith.muli %scan3A_39, %mul3A_70 : i32
      %add3A_72 = arith.constant 3 : i32
      %add3A_73 = arith.addi %mul3A_71, %add3A_72 : i32
      %mul3A_74 = arith.constant 16 : i32
      %mul3A_75 = arith.muli %add3A_73, %mul3A_74 : i32
      %get3A_76 = arith.index_cast %mul3A_75 : i32 to index
      %get3A_77 = tpu.vector_load %arg5[%get3A_76] {strides = array<i32>} : memref<1600xi32, #tpu.memory_space<vmem>>, vector<16xi32>,
      %get3A_78 = arith.index_cast %mul3A_75 : i32 to index
      %get3A_79 = tpu.vector_load %arg6[%get3A_78] {strides = array<i32>} : memref<1600xf32, #tpu.memory_space<vmem>>, vector<16xf32>,
      tpu.vector_store_idx %arg7[%get3A_77], %get3A_79 {add = true} : memref<10240xf32, #tpu.memory_space<vmem>>[vector<16xi32>], vector<16xf32>,
      %mul3A_80 = arith.constant 5 : i32
      %mul3A_81 = arith.muli %scan3A_39, %mul3A_80 : i32
      %add3A_82 = arith.constant 4 : i32
      %add3A_83 = arith.addi %mul3A_81, %add3A_82 : i32
      %mul3A_84 = arith.constant 16 : i32
      %mul3A_85 = arith.muli %add3A_83, %mul3A_84 : i32
      %get3A_86 = arith.index_cast %mul3A_85 : i32 to index
      %get3A_87 = tpu.vector_load %arg5[%get3A_86] {strides = array<i32>} : memref<1600xi32, #tpu.memory_space<vmem>>, vector<16xi32>,
      %get3A_88 = arith.index_cast %mul3A_85 : i32 to index
      %get3A_89 = tpu.vector_load %arg6[%get3A_88] {strides = array<i32>} : memref<1600xf32, #tpu.memory_space<vmem>>, vector<16xf32>,
      tpu.vector_store_idx %arg7[%get3A_87], %get3A_89 {add = true} : memref<10240xf32, #tpu.memory_space<vmem>>[vector<16xi32>], vector<16xf32>,
      %scan3A_90 = arith.constant 0 : i32
      scf.yield %scan3A_90 : i32
    }
    %scan3A_24 = arith.constant 20 : i32
    "tpu.region"() ({
      %run_scoped3A = tpu.sem_alloc : memref<!tpu.dma_semaphore, #tpu.memory_space<semaphore_mem>>
      %dma_start3A_39 = arith.constant 0 : i32
      %dma_start3A_40 = tpu.memref_slice %arg8[%arg1, %dma_start3A_39] : memref<16x10240xf32, #tpu.memory_space<vmem_shared>> -> memref<1x10240xf32, #tpu.memory_space<vmem_shared>>
      %dma_start3A_41 = tpu.memref_squeeze %dma_start3A_40 : memref<1x10240xf32, #tpu.memory_space<vmem_shared>> -> memref<10240xf32, #tpu.memory_space<vmem_shared>>
      %dma_start3A_42 = arith.constant 0 : i32
      %dma_start3A_43 = tpu.memref_slice %arg8[%arg1, %dma_start3A_42] : memref<16x10240xf32, #tpu.memory_space<vmem_shared>> -> memref<1x10240xf32, #tpu.memory_space<vmem_shared>>
      %dma_start3A_44 = tpu.memref_squeeze %dma_start3A_43 : memref<1x10240xf32, #tpu.memory_space<vmem_shared>> -> memref<10240xf32, #tpu.memory_space<vmem_shared>>
      tpu.enqueue_dma source(%arg7 : memref<10240xf32, #tpu.memory_space<vmem>>) target(%dma_start3A_44 : memref<10240xf32, #tpu.memory_space<vmem_shared>>) target_semaphore(%run_scoped3A : memref<!tpu.dma_semaphore, #tpu.memory_space<semaphore_mem>>)
      %dma_wait3A_45 = arith.constant 0 : i32
      %dma_wait3A_46 = tpu.memref_slice %arg8[%arg1, %dma_wait3A_45] : memref<16x10240xf32, #tpu.memory_space<vmem_shared>> -> memref<1x10240xf32, #tpu.memory_space<vmem_shared>>
      %dma_wait3A_47 = tpu.memref_squeeze %dma_wait3A_46 : memref<1x10240xf32, #tpu.memory_space<vmem_shared>> -> memref<10240xf32, #tpu.memory_space<vmem_shared>>
      %dma_wait3A_48 = arith.constant 0 : i32
      %dma_wait3A_49 = tpu.memref_slice %arg8[%arg1, %dma_wait3A_48] : memref<16x10240xf32, #tpu.memory_space<vmem_shared>> -> memref<1x10240xf32, #tpu.memory_space<vmem_shared>>
      %dma_wait3A_50 = tpu.memref_squeeze %dma_wait3A_49 : memref<1x10240xf32, #tpu.memory_space<vmem_shared>> -> memref<10240xf32, #tpu.memory_space<vmem_shared>>
      tpu.wait_dma2 semaphore(%run_scoped3A : memref<!tpu.dma_semaphore, #tpu.memory_space<semaphore_mem>>) src(%arg7 : memref<10240xf32, #tpu.memory_space<vmem>>) dst(%dma_wait3A_50 : memref<10240xf32, #tpu.memory_space<vmem_shared>>)
      tpu.yield
    }) : () -> ()
    %barrier3A = arith.constant 0 : index
    tpu.barrier barrier_id(%barrier3A)
    %mul3A_25 = arith.constant 640 : i32
    %mul3A_26 = arith.muli %arg1, %mul3A_25 : i32
    "tpu.region"() ({
      %run_scoped3A = tpu.sem_alloc : memref<!tpu.dma_semaphore, #tpu.memory_space<semaphore_mem>>
      %dma_start3A_39 = arith.constant 0 : i32
      %dma_start3A_40 = tpu.memref_slice %arg8[%dma_start3A_39, %mul3A_26] : memref<16x10240xf32, #tpu.memory_space<vmem_shared>> -> memref<16x640xf32, #tpu.memory_space<vmem_shared>>
      %dma_start3A_41 = arith.constant 0 : i32
      %dma_start3A_42 = tpu.memref_slice %arg8[%dma_start3A_41, %mul3A_26] : memref<16x10240xf32, #tpu.memory_space<vmem_shared>> -> memref<16x640xf32, #tpu.memory_space<vmem_shared>>
      tpu.enqueue_dma source(%dma_start3A_42 : memref<16x640xf32, #tpu.memory_space<vmem_shared>>) target(%arg9 : memref<16x640xf32, #tpu.memory_space<vmem>>) target_semaphore(%run_scoped3A : memref<!tpu.dma_semaphore, #tpu.memory_space<semaphore_mem>>)
      %dma_wait3A_43 = arith.constant 0 : i32
      %dma_wait3A_44 = tpu.memref_slice %arg8[%dma_wait3A_43, %mul3A_26] : memref<16x10240xf32, #tpu.memory_space<vmem_shared>> -> memref<16x640xf32, #tpu.memory_space<vmem_shared>>
      %dma_wait3A_45 = arith.constant 0 : i32
      %dma_wait3A_46 = tpu.memref_slice %arg8[%dma_wait3A_45, %mul3A_26] : memref<16x10240xf32, #tpu.memory_space<vmem_shared>> -> memref<16x640xf32, #tpu.memory_space<vmem_shared>>
      tpu.wait_dma2 semaphore(%run_scoped3A : memref<!tpu.dma_semaphore, #tpu.memory_space<semaphore_mem>>) src(%dma_wait3A_46 : memref<16x640xf32, #tpu.memory_space<vmem_shared>>) dst(%arg9 : memref<16x640xf32, #tpu.memory_space<vmem>>)
      tpu.yield
    }) : () -> ()
    %scan3A_27 = arith.constant 0 : i32
    %scan3A_28 = arith.constant 0 : i32
    %scan3A_29 = arith.constant 40 : i32
    %scan3A_30 = arith.addi %scan3A_28, %scan3A_29 : i32
    %scan3A_31 = arith.constant 1 : i32
    %scan3A_32 = scf.for %scan3A_39 = %scan3A_28 to %scan3A_30 step %scan3A_31 iter_args(%scan3A_40 = %scan3A_27) -> (i32)  : i32 {
      %mul3A_41 = arith.constant 16 : i32
      %mul3A_42 = arith.muli %scan3A_39, %mul3A_41 : i32
      %get3A = arith.constant 0 : i32
      %get3A_43 = arith.index_cast %get3A : i32 to index
      %get3A_44 = arith.index_cast %mul3A_42 : i32 to index
      %get3A_45 = tpu.vector_load %arg9[%get3A_43, %get3A_44] {strides = array<i32>} : memref<16x640xf32, #tpu.memory_space<vmem>>, vector<16xf32>,
      %get3A_46 = arith.constant 1 : i32
      %get3A_47 = arith.index_cast %get3A_46 : i32 to index
      %get3A_48 = arith.index_cast %mul3A_42 : i32 to index
      %get3A_49 = tpu.vector_load %arg9[%get3A_47, %get3A_48] {strides = array<i32>} : memref<16x640xf32, #tpu.memory_space<vmem>>, vector<16xf32>,
      %add3A_50 = arith.addf %get3A_45, %get3A_49 : vector<16xf32>
      %get3A_51 = arith.constant 2 : i32
      %get3A_52 = arith.index_cast %get3A_51 : i32 to index
      %get3A_53 = arith.index_cast %mul3A_42 : i32 to index
      %get3A_54 = tpu.vector_load %arg9[%get3A_52, %get3A_53] {strides = array<i32>} : memref<16x640xf32, #tpu.memory_space<vmem>>, vector<16xf32>,
      %add3A_55 = arith.addf %add3A_50, %get3A_54 : vector<16xf32>
      %get3A_56 = arith.constant 3 : i32
      %get3A_57 = arith.index_cast %get3A_56 : i32 to index
      %get3A_58 = arith.index_cast %mul3A_42 : i32 to index
      %get3A_59 = tpu.vector_load %arg9[%get3A_57, %get3A_58] {strides = array<i32>} : memref<16x640xf32, #tpu.memory_space<vmem>>, vector<16xf32>,
      %add3A_60 = arith.addf %add3A_55, %get3A_59 : vector<16xf32>
      %get3A_61 = arith.constant 4 : i32
      %get3A_62 = arith.index_cast %get3A_61 : i32 to index
      %get3A_63 = arith.index_cast %mul3A_42 : i32 to index
      %get3A_64 = tpu.vector_load %arg9[%get3A_62, %get3A_63] {strides = array<i32>} : memref<16x640xf32, #tpu.memory_space<vmem>>, vector<16xf32>,
      %add3A_65 = arith.addf %add3A_60, %get3A_64 : vector<16xf32>
      %get3A_66 = arith.constant 5 : i32
      %get3A_67 = arith.index_cast %get3A_66 : i32 to index
      %get3A_68 = arith.index_cast %mul3A_42 : i32 to index
      %get3A_69 = tpu.vector_load %arg9[%get3A_67, %get3A_68] {strides = array<i32>} : memref<16x640xf32, #tpu.memory_space<vmem>>, vector<16xf32>,
      %add3A_70 = arith.addf %add3A_65, %get3A_69 : vector<16xf32>
      %get3A_71 = arith.constant 6 : i32
      %get3A_72 = arith.index_cast %get3A_71 : i32 to index
      %get3A_73 = arith.index_cast %mul3A_42 : i32 to index
      %get3A_74 = tpu.vector_load %arg9[%get3A_72, %get3A_73] {strides = array<i32>} : memref<16x640xf32, #tpu.memory_space<vmem>>, vector<16xf32>,
      %add3A_75 = arith.addf %add3A_70, %get3A_74 : vector<16xf32>
      %get3A_76 = arith.constant 7 : i32
      %get3A_77 = arith.index_cast %get3A_76 : i32 to index
      %get3A_78 = arith.index_cast %mul3A_42 : i32 to index
      %get3A_79 = tpu.vector_load %arg9[%get3A_77, %get3A_78] {strides = array<i32>} : memref<16x640xf32, #tpu.memory_space<vmem>>, vector<16xf32>,
      %add3A_80 = arith.addf %add3A_75, %get3A_79 : vector<16xf32>
      %get3A_81 = arith.constant 8 : i32
      %get3A_82 = arith.index_cast %get3A_81 : i32 to index
      %get3A_83 = arith.index_cast %mul3A_42 : i32 to index
      %get3A_84 = tpu.vector_load %arg9[%get3A_82, %get3A_83] {strides = array<i32>} : memref<16x640xf32, #tpu.memory_space<vmem>>, vector<16xf32>,
      %add3A_85 = arith.addf %add3A_80, %get3A_84 : vector<16xf32>
      %get3A_86 = arith.constant 9 : i32
      %get3A_87 = arith.index_cast %get3A_86 : i32 to index
      %get3A_88 = arith.index_cast %mul3A_42 : i32 to index
      %get3A_89 = tpu.vector_load %arg9[%get3A_87, %get3A_88] {strides = array<i32>} : memref<16x640xf32, #tpu.memory_space<vmem>>, vector<16xf32>,
      %add3A_90 = arith.addf %add3A_85, %get3A_89 : vector<16xf32>
      %get3A_91 = arith.constant 10 : i32
      %get3A_92 = arith.index_cast %get3A_91 : i32 to index
      %get3A_93 = arith.index_cast %mul3A_42 : i32 to index
      %get3A_94 = tpu.vector_load %arg9[%get3A_92, %get3A_93] {strides = array<i32>} : memref<16x640xf32, #tpu.memory_space<vmem>>, vector<16xf32>,
      %add3A_95 = arith.addf %add3A_90, %get3A_94 : vector<16xf32>
      %get3A_96 = arith.constant 11 : i32
      %get3A_97 = arith.index_cast %get3A_96 : i32 to index
      %get3A_98 = arith.index_cast %mul3A_42 : i32 to index
      %get3A_99 = tpu.vector_load %arg9[%get3A_97, %get3A_98] {strides = array<i32>} : memref<16x640xf32, #tpu.memory_space<vmem>>, vector<16xf32>,
      %add3A_100 = arith.addf %add3A_95, %get3A_99 : vector<16xf32>
      %get3A_101 = arith.constant 12 : i32
      %get3A_102 = arith.index_cast %get3A_101 : i32 to index
      %get3A_103 = arith.index_cast %mul3A_42 : i32 to index
      %get3A_104 = tpu.vector_load %arg9[%get3A_102, %get3A_103] {strides = array<i32>} : memref<16x640xf32, #tpu.memory_space<vmem>>, vector<16xf32>,
      %add3A_105 = arith.addf %add3A_100, %get3A_104 : vector<16xf32>
      %get3A_106 = arith.constant 13 : i32
      %get3A_107 = arith.index_cast %get3A_106 : i32 to index
      %get3A_108 = arith.index_cast %mul3A_42 : i32 to index
      %get3A_109 = tpu.vector_load %arg9[%get3A_107, %get3A_108] {strides = array<i32>} : memref<16x640xf32, #tpu.memory_space<vmem>>, vector<16xf32>,
      %add3A_110 = arith.addf %add3A_105, %get3A_109 : vector<16xf32>
      %get3A_111 = arith.constant 14 : i32
      %get3A_112 = arith.index_cast %get3A_111 : i32 to index
      %get3A_113 = arith.index_cast %mul3A_42 : i32 to index
      %get3A_114 = tpu.vector_load %arg9[%get3A_112, %get3A_113] {strides = array<i32>} : memref<16x640xf32, #tpu.memory_space<vmem>>, vector<16xf32>,
      %add3A_115 = arith.addf %add3A_110, %get3A_114 : vector<16xf32>
      %get3A_116 = arith.constant 15 : i32
      %get3A_117 = arith.index_cast %get3A_116 : i32 to index
      %get3A_118 = arith.index_cast %mul3A_42 : i32 to index
      %get3A_119 = tpu.vector_load %arg9[%get3A_117, %get3A_118] {strides = array<i32>} : memref<16x640xf32, #tpu.memory_space<vmem>>, vector<16xf32>,
      %add3A_120 = arith.addf %add3A_115, %get3A_119 : vector<16xf32>
      %swap3A = arith.index_cast %mul3A_42 : i32 to index
      %swap3A_121 = tpu.vector_load %arg10[%swap3A] {strides = array<i32>} : memref<640xf32, #tpu.memory_space<vmem>>, vector<16xf32>,
      tpu.vector_store %arg10[%swap3A], %add3A_120 {strides = array<i32>} : memref<640xf32, #tpu.memory_space<vmem>>, vector<16xf32>,
      %scan3A_122 = arith.constant 0 : i32
      scf.yield %scan3A_122 : i32
    }
    %scan3A_33 = arith.constant 40 : i32
    %mul3A_34 = arith.constant 10240 : i32
    %mul3A_35 = arith.muli %arg0, %mul3A_34 : i32
    %mul3A_36 = arith.constant 640 : i32
    %mul3A_37 = arith.muli %arg1, %mul3A_36 : i32
    %add3A_38 = arith.addi %mul3A_35, %mul3A_37 : i32
    "tpu.region"() ({
      %run_scoped3A = tpu.sem_alloc : memref<!tpu.dma_semaphore, #tpu.memory_space<semaphore_mem>>
      %dma_start3A_39 = tpu.memref_slice %arg4[%add3A_38] : memref<20480xf32, #tpu.memory_space<hbm>> -> memref<640xf32, #tpu.memory_space<hbm>>
      %dma_start3A_40 = tpu.memref_slice %arg4[%add3A_38] : memref<20480xf32, #tpu.memory_space<hbm>> -> memref<640xf32, #tpu.memory_space<hbm>>
      tpu.enqueue_dma source(%arg10 : memref<640xf32, #tpu.memory_space<vmem>>) target(%dma_start3A_40 : memref<640xf32, #tpu.memory_space<hbm>>) target_semaphore(%run_scoped3A : memref<!tpu.dma_semaphore, #tpu.memory_space<semaphore_mem>>)
      %dma_wait3A_41 = tpu.memref_slice %arg4[%add3A_38] : memref<20480xf32, #tpu.memory_space<hbm>> -> memref<640xf32, #tpu.memory_space<hbm>>
      %dma_wait3A_42 = tpu.memref_slice %arg4[%add3A_38] : memref<20480xf32, #tpu.memory_space<hbm>> -> memref<640xf32, #tpu.memory_space<hbm>>
      tpu.wait_dma2 semaphore(%run_scoped3A : memref<!tpu.dma_semaphore, #tpu.memory_space<semaphore_mem>>) src(%arg10 : memref<640xf32, #tpu.memory_space<vmem>>) dst(%dma_wait3A_42 : memref<640xf32, #tpu.memory_space<hbm>>)
      tpu.yield
    }) : () -> ()
    return
  }
}

#map = affine_map<(d0, d1) -> (0)>
module attributes {stable_mosaic.version = 14 : i64} {
  func.func @body(%arg0: i32, %arg1: i32, %arg2: memref<320000xi32, #tpu.memory_space<hbm>>, %arg3: memref<268800xf32, #tpu.memory_space<hbm>>, %arg4: memref<20480xf32, #tpu.memory_space<hbm>>, %arg5: memref<8400xi32, #tpu.memory_space<vmem>>, %arg6: memref<8400xf32, #tpu.memory_space<vmem>>, %arg7: memref<10240xf32, #tpu.memory_space<vmem>>, %arg8: memref<16x10240xf32, #tpu.memory_space<vmem_shared>>, %arg9: memref<16x640xf32, #tpu.memory_space<vmem>>, %arg10: memref<640xf32, #tpu.memory_space<vmem>>, %arg11: memref<!tpu.dma_semaphore, #tpu.memory_space<semaphore_mem>>, %arg12: memref<!tpu.dma_semaphore, #tpu.memory_space<semaphore_mem>>) attributes {dimension_semantics = [#tpu.dimension_semantics<core_parallel>, #tpu.dimension_semantics<subcore_parallel>], iteration_bounds = array<i64: 2, 16>, scalar_prefetch = 0 : i64, scratch_operands = 8 : i64, tpu.core_type = #tpu.core_type<sc_vector_subcore>, window_params = [{transform_indices = #map}, {transform_indices = #map}, {transform_indices = #map}]} {
    %mul3A = arith.constant 2 : i32
    %mul3A_0 = arith.muli %arg1, %mul3A : i32
    %add3A = arith.addi %mul3A_0, %arg0 : i32
    %mul3A_1 = arith.constant 8400 : i32
    %mul3A_2 = arith.muli %add3A, %mul3A_1 : i32
    %add3A_3 = arith.constant 0 : i32
    %add3A_4 = arith.addi %add3A_3, %mul3A_2 : i32
    %dma_start3A = tpu.memref_slice %arg2[%add3A_4] : memref<320000xi32, #tpu.memory_space<hbm>> -> memref<8400xi32, #tpu.memory_space<hbm>>
    %dma_start3A_5 = tpu.memref_slice %arg2[%add3A_4] : memref<320000xi32, #tpu.memory_space<hbm>> -> memref<8400xi32, #tpu.memory_space<hbm>>
    tpu.enqueue_dma source(%dma_start3A_5 : memref<8400xi32, #tpu.memory_space<hbm>>) target(%arg5 : memref<8400xi32, #tpu.memory_space<vmem>>) target_semaphore(%arg11 : memref<!tpu.dma_semaphore, #tpu.memory_space<semaphore_mem>>)
    %dma_start3A_6 = tpu.memref_slice %arg3[%mul3A_2] : memref<268800xf32, #tpu.memory_space<hbm>> -> memref<8400xf32, #tpu.memory_space<hbm>>
    %dma_start3A_7 = tpu.memref_slice %arg3[%mul3A_2] : memref<268800xf32, #tpu.memory_space<hbm>> -> memref<8400xf32, #tpu.memory_space<hbm>>
    tpu.enqueue_dma source(%dma_start3A_7 : memref<8400xf32, #tpu.memory_space<hbm>>) target(%arg6 : memref<8400xf32, #tpu.memory_space<vmem>>) target_semaphore(%arg12 : memref<!tpu.dma_semaphore, #tpu.memory_space<semaphore_mem>>)
    %broadcast_in_dim3A = arith.constant 0.000000e+00 : f32
    %broadcast_in_dim3A_8 = vector.broadcast %broadcast_in_dim3A : f32 to vector<16xf32>
    %scan3A = arith.constant 0 : i32
    %scan3A_9 = arith.constant 0 : i32
    %scan3A_10 = arith.constant 80 : i32
    %scan3A_11 = arith.addi %scan3A_9, %scan3A_10 : i32
    %scan3A_12 = arith.constant 1 : i32
    %scan3A_13 = scf.for %scan3A_39 = %scan3A_9 to %scan3A_11 step %scan3A_12 iter_args(%scan3A_40 = %scan3A) -> (i32)  : i32 {
      %mul3A_41 = arith.constant 8 : i32
      %mul3A_42 = arith.muli %scan3A_39, %mul3A_41 : i32
      %add3A_43 = arith.constant 0 : i32
      %add3A_44 = arith.addi %mul3A_42, %add3A_43 : i32
      %mul3A_45 = arith.constant 16 : i32
      %mul3A_46 = arith.muli %add3A_44, %mul3A_45 : i32
      %swap3A = arith.index_cast %mul3A_46 : i32 to index
      %swap3A_47 = tpu.vector_load %arg7[%swap3A] {strides = array<i32>} : memref<10240xf32, #tpu.memory_space<vmem>>, vector<16xf32>,
      tpu.vector_store %arg7[%swap3A], %broadcast_in_dim3A_8 {strides = array<i32>} : memref<10240xf32, #tpu.memory_space<vmem>>, vector<16xf32>,
      %mul3A_48 = arith.constant 8 : i32
      %mul3A_49 = arith.muli %scan3A_39, %mul3A_48 : i32
      %add3A_50 = arith.constant 1 : i32
      %add3A_51 = arith.addi %mul3A_49, %add3A_50 : i32
      %mul3A_52 = arith.constant 16 : i32
      %mul3A_53 = arith.muli %add3A_51, %mul3A_52 : i32
      %swap3A_54 = arith.index_cast %mul3A_53 : i32 to index
      %swap3A_55 = tpu.vector_load %arg7[%swap3A_54] {strides = array<i32>} : memref<10240xf32, #tpu.memory_space<vmem>>, vector<16xf32>,
      tpu.vector_store %arg7[%swap3A_54], %broadcast_in_dim3A_8 {strides = array<i32>} : memref<10240xf32, #tpu.memory_space<vmem>>, vector<16xf32>,
      %mul3A_56 = arith.constant 8 : i32
      %mul3A_57 = arith.muli %scan3A_39, %mul3A_56 : i32
      %add3A_58 = arith.constant 2 : i32
      %add3A_59 = arith.addi %mul3A_57, %add3A_58 : i32
      %mul3A_60 = arith.constant 16 : i32
      %mul3A_61 = arith.muli %add3A_59, %mul3A_60 : i32
      %swap3A_62 = arith.index_cast %mul3A_61 : i32 to index
      %swap3A_63 = tpu.vector_load %arg7[%swap3A_62] {strides = array<i32>} : memref<10240xf32, #tpu.memory_space<vmem>>, vector<16xf32>,
      tpu.vector_store %arg7[%swap3A_62], %broadcast_in_dim3A_8 {strides = array<i32>} : memref<10240xf32, #tpu.memory_space<vmem>>, vector<16xf32>,
      %mul3A_64 = arith.constant 8 : i32
      %mul3A_65 = arith.muli %scan3A_39, %mul3A_64 : i32
      %add3A_66 = arith.constant 3 : i32
      %add3A_67 = arith.addi %mul3A_65, %add3A_66 : i32
      %mul3A_68 = arith.constant 16 : i32
      %mul3A_69 = arith.muli %add3A_67, %mul3A_68 : i32
      %swap3A_70 = arith.index_cast %mul3A_69 : i32 to index
      %swap3A_71 = tpu.vector_load %arg7[%swap3A_70] {strides = array<i32>} : memref<10240xf32, #tpu.memory_space<vmem>>, vector<16xf32>,
      tpu.vector_store %arg7[%swap3A_70], %broadcast_in_dim3A_8 {strides = array<i32>} : memref<10240xf32, #tpu.memory_space<vmem>>, vector<16xf32>,
      %mul3A_72 = arith.constant 8 : i32
      %mul3A_73 = arith.muli %scan3A_39, %mul3A_72 : i32
      %add3A_74 = arith.constant 4 : i32
      %add3A_75 = arith.addi %mul3A_73, %add3A_74 : i32
      %mul3A_76 = arith.constant 16 : i32
      %mul3A_77 = arith.muli %add3A_75, %mul3A_76 : i32
      %swap3A_78 = arith.index_cast %mul3A_77 : i32 to index
      %swap3A_79 = tpu.vector_load %arg7[%swap3A_78] {strides = array<i32>} : memref<10240xf32, #tpu.memory_space<vmem>>, vector<16xf32>,
      tpu.vector_store %arg7[%swap3A_78], %broadcast_in_dim3A_8 {strides = array<i32>} : memref<10240xf32, #tpu.memory_space<vmem>>, vector<16xf32>,
      %mul3A_80 = arith.constant 8 : i32
      %mul3A_81 = arith.muli %scan3A_39, %mul3A_80 : i32
      %add3A_82 = arith.constant 5 : i32
      %add3A_83 = arith.addi %mul3A_81, %add3A_82 : i32
      %mul3A_84 = arith.constant 16 : i32
      %mul3A_85 = arith.muli %add3A_83, %mul3A_84 : i32
      %swap3A_86 = arith.index_cast %mul3A_85 : i32 to index
      %swap3A_87 = tpu.vector_load %arg7[%swap3A_86] {strides = array<i32>} : memref<10240xf32, #tpu.memory_space<vmem>>, vector<16xf32>,
      tpu.vector_store %arg7[%swap3A_86], %broadcast_in_dim3A_8 {strides = array<i32>} : memref<10240xf32, #tpu.memory_space<vmem>>, vector<16xf32>,
      %mul3A_88 = arith.constant 8 : i32
      %mul3A_89 = arith.muli %scan3A_39, %mul3A_88 : i32
      %add3A_90 = arith.constant 6 : i32
      %add3A_91 = arith.addi %mul3A_89, %add3A_90 : i32
      %mul3A_92 = arith.constant 16 : i32
      %mul3A_93 = arith.muli %add3A_91, %mul3A_92 : i32
      %swap3A_94 = arith.index_cast %mul3A_93 : i32 to index
      %swap3A_95 = tpu.vector_load %arg7[%swap3A_94] {strides = array<i32>} : memref<10240xf32, #tpu.memory_space<vmem>>, vector<16xf32>,
      tpu.vector_store %arg7[%swap3A_94], %broadcast_in_dim3A_8 {strides = array<i32>} : memref<10240xf32, #tpu.memory_space<vmem>>, vector<16xf32>,
      %mul3A_96 = arith.constant 8 : i32
      %mul3A_97 = arith.muli %scan3A_39, %mul3A_96 : i32
      %add3A_98 = arith.constant 7 : i32
      %add3A_99 = arith.addi %mul3A_97, %add3A_98 : i32
      %mul3A_100 = arith.constant 16 : i32
      %mul3A_101 = arith.muli %add3A_99, %mul3A_100 : i32
      %swap3A_102 = arith.index_cast %mul3A_101 : i32 to index
      %swap3A_103 = tpu.vector_load %arg7[%swap3A_102] {strides = array<i32>} : memref<10240xf32, #tpu.memory_space<vmem>>, vector<16xf32>,
      tpu.vector_store %arg7[%swap3A_102], %broadcast_in_dim3A_8 {strides = array<i32>} : memref<10240xf32, #tpu.memory_space<vmem>>, vector<16xf32>,
      %scan3A_104 = arith.constant 0 : i32
      scf.yield %scan3A_104 : i32
    }
    %scan3A_14 = arith.constant 80 : i32
    %dma_wait3A = tpu.memref_slice %arg2[%add3A_4] : memref<320000xi32, #tpu.memory_space<hbm>> -> memref<8400xi32, #tpu.memory_space<hbm>>
    %dma_wait3A_15 = tpu.memref_slice %arg2[%add3A_4] : memref<320000xi32, #tpu.memory_space<hbm>> -> memref<8400xi32, #tpu.memory_space<hbm>>
    tpu.wait_dma2 semaphore(%arg11 : memref<!tpu.dma_semaphore, #tpu.memory_space<semaphore_mem>>) src(%dma_wait3A_15 : memref<8400xi32, #tpu.memory_space<hbm>>) dst(%arg5 : memref<8400xi32, #tpu.memory_space<vmem>>)
    %dma_wait3A_16 = tpu.memref_slice %arg3[%mul3A_2] : memref<268800xf32, #tpu.memory_space<hbm>> -> memref<8400xf32, #tpu.memory_space<hbm>>
    %dma_wait3A_17 = tpu.memref_slice %arg3[%mul3A_2] : memref<268800xf32, #tpu.memory_space<hbm>> -> memref<8400xf32, #tpu.memory_space<hbm>>
    tpu.wait_dma2 semaphore(%arg12 : memref<!tpu.dma_semaphore, #tpu.memory_space<semaphore_mem>>) src(%dma_wait3A_17 : memref<8400xf32, #tpu.memory_space<hbm>>) dst(%arg6 : memref<8400xf32, #tpu.memory_space<vmem>>)
    %scan3A_18 = arith.constant 0 : i32
    %scan3A_19 = arith.constant 0 : i32
    %scan3A_20 = arith.constant 105 : i32
    %scan3A_21 = arith.addi %scan3A_19, %scan3A_20 : i32
    %scan3A_22 = arith.constant 1 : i32
    %scan3A_23 = scf.for %scan3A_39 = %scan3A_19 to %scan3A_21 step %scan3A_22 iter_args(%scan3A_40 = %scan3A_18) -> (i32)  : i32 {
      %mul3A_41 = arith.constant 5 : i32
      %mul3A_42 = arith.muli %scan3A_39, %mul3A_41 : i32
      %add3A_43 = arith.constant 0 : i32
      %add3A_44 = arith.addi %mul3A_42, %add3A_43 : i32
      %mul3A_45 = arith.constant 16 : i32
      %mul3A_46 = arith.muli %add3A_44, %mul3A_45 : i32
      %get3A = arith.index_cast %mul3A_46 : i32 to index
      %get3A_47 = tpu.vector_load %arg5[%get3A] {strides = array<i32>} : memref<8400xi32, #tpu.memory_space<vmem>>, vector<16xi32>,
      %get3A_48 = arith.index_cast %mul3A_46 : i32 to index
      %get3A_49 = tpu.vector_load %arg6[%get3A_48] {strides = array<i32>} : memref<8400xf32, #tpu.memory_space<vmem>>, vector<16xf32>,
      tpu.vector_store_idx %arg7[%get3A_47], %get3A_49 {add = true} : memref<10240xf32, #tpu.memory_space<vmem>>[vector<16xi32>], vector<16xf32>,
      %mul3A_50 = arith.constant 5 : i32
      %mul3A_51 = arith.muli %scan3A_39, %mul3A_50 : i32
      %add3A_52 = arith.constant 1 : i32
      %add3A_53 = arith.addi %mul3A_51, %add3A_52 : i32
      %mul3A_54 = arith.constant 16 : i32
      %mul3A_55 = arith.muli %add3A_53, %mul3A_54 : i32
      %get3A_56 = arith.index_cast %mul3A_55 : i32 to index
      %get3A_57 = tpu.vector_load %arg5[%get3A_56] {strides = array<i32>} : memref<8400xi32, #tpu.memory_space<vmem>>, vector<16xi32>,
      %get3A_58 = arith.index_cast %mul3A_55 : i32 to index
      %get3A_59 = tpu.vector_load %arg6[%get3A_58] {strides = array<i32>} : memref<8400xf32, #tpu.memory_space<vmem>>, vector<16xf32>,
      tpu.vector_store_idx %arg7[%get3A_57], %get3A_59 {add = true} : memref<10240xf32, #tpu.memory_space<vmem>>[vector<16xi32>], vector<16xf32>,
      %mul3A_60 = arith.constant 5 : i32
      %mul3A_61 = arith.muli %scan3A_39, %mul3A_60 : i32
      %add3A_62 = arith.constant 2 : i32
      %add3A_63 = arith.addi %mul3A_61, %add3A_62 : i32
      %mul3A_64 = arith.constant 16 : i32
      %mul3A_65 = arith.muli %add3A_63, %mul3A_64 : i32
      %get3A_66 = arith.index_cast %mul3A_65 : i32 to index
      %get3A_67 = tpu.vector_load %arg5[%get3A_66] {strides = array<i32>} : memref<8400xi32, #tpu.memory_space<vmem>>, vector<16xi32>,
      %get3A_68 = arith.index_cast %mul3A_65 : i32 to index
      %get3A_69 = tpu.vector_load %arg6[%get3A_68] {strides = array<i32>} : memref<8400xf32, #tpu.memory_space<vmem>>, vector<16xf32>,
      tpu.vector_store_idx %arg7[%get3A_67], %get3A_69 {add = true} : memref<10240xf32, #tpu.memory_space<vmem>>[vector<16xi32>], vector<16xf32>,
      %mul3A_70 = arith.constant 5 : i32
      %mul3A_71 = arith.muli %scan3A_39, %mul3A_70 : i32
      %add3A_72 = arith.constant 3 : i32
      %add3A_73 = arith.addi %mul3A_71, %add3A_72 : i32
      %mul3A_74 = arith.constant 16 : i32
      %mul3A_75 = arith.muli %add3A_73, %mul3A_74 : i32
      %get3A_76 = arith.index_cast %mul3A_75 : i32 to index
      %get3A_77 = tpu.vector_load %arg5[%get3A_76] {strides = array<i32>} : memref<8400xi32, #tpu.memory_space<vmem>>, vector<16xi32>,
      %get3A_78 = arith.index_cast %mul3A_75 : i32 to index
      %get3A_79 = tpu.vector_load %arg6[%get3A_78] {strides = array<i32>} : memref<8400xf32, #tpu.memory_space<vmem>>, vector<16xf32>,
      tpu.vector_store_idx %arg7[%get3A_77], %get3A_79 {add = true} : memref<10240xf32, #tpu.memory_space<vmem>>[vector<16xi32>], vector<16xf32>,
      %mul3A_80 = arith.constant 5 : i32
      %mul3A_81 = arith.muli %scan3A_39, %mul3A_80 : i32
      %add3A_82 = arith.constant 4 : i32
      %add3A_83 = arith.addi %mul3A_81, %add3A_82 : i32
      %mul3A_84 = arith.constant 16 : i32
      %mul3A_85 = arith.muli %add3A_83, %mul3A_84 : i32
      %get3A_86 = arith.index_cast %mul3A_85 : i32 to index
      %get3A_87 = tpu.vector_load %arg5[%get3A_86] {strides = array<i32>} : memref<8400xi32, #tpu.memory_space<vmem>>, vector<16xi32>,
      %get3A_88 = arith.index_cast %mul3A_85 : i32 to index
      %get3A_89 = tpu.vector_load %arg6[%get3A_88] {strides = array<i32>} : memref<8400xf32, #tpu.memory_space<vmem>>, vector<16xf32>,
      tpu.vector_store_idx %arg7[%get3A_87], %get3A_89 {add = true} : memref<10240xf32, #tpu.memory_space<vmem>>[vector<16xi32>], vector<16xf32>,
      %scan3A_90 = arith.constant 0 : i32
      scf.yield %scan3A_90 : i32
    }
    %scan3A_24 = arith.constant 105 : i32
    "tpu.region"() ({
      %run_scoped3A = tpu.sem_alloc : memref<!tpu.dma_semaphore, #tpu.memory_space<semaphore_mem>>
      %dma_start3A_39 = arith.constant 0 : i32
      %dma_start3A_40 = tpu.memref_slice %arg8[%arg1, %dma_start3A_39] : memref<16x10240xf32, #tpu.memory_space<vmem_shared>> -> memref<1x10240xf32, #tpu.memory_space<vmem_shared>>
      %dma_start3A_41 = tpu.memref_squeeze %dma_start3A_40 : memref<1x10240xf32, #tpu.memory_space<vmem_shared>> -> memref<10240xf32, #tpu.memory_space<vmem_shared>>
      %dma_start3A_42 = arith.constant 0 : i32
      %dma_start3A_43 = tpu.memref_slice %arg8[%arg1, %dma_start3A_42] : memref<16x10240xf32, #tpu.memory_space<vmem_shared>> -> memref<1x10240xf32, #tpu.memory_space<vmem_shared>>
      %dma_start3A_44 = tpu.memref_squeeze %dma_start3A_43 : memref<1x10240xf32, #tpu.memory_space<vmem_shared>> -> memref<10240xf32, #tpu.memory_space<vmem_shared>>
      tpu.enqueue_dma source(%arg7 : memref<10240xf32, #tpu.memory_space<vmem>>) target(%dma_start3A_44 : memref<10240xf32, #tpu.memory_space<vmem_shared>>) target_semaphore(%run_scoped3A : memref<!tpu.dma_semaphore, #tpu.memory_space<semaphore_mem>>)
      %dma_wait3A_45 = arith.constant 0 : i32
      %dma_wait3A_46 = tpu.memref_slice %arg8[%arg1, %dma_wait3A_45] : memref<16x10240xf32, #tpu.memory_space<vmem_shared>> -> memref<1x10240xf32, #tpu.memory_space<vmem_shared>>
      %dma_wait3A_47 = tpu.memref_squeeze %dma_wait3A_46 : memref<1x10240xf32, #tpu.memory_space<vmem_shared>> -> memref<10240xf32, #tpu.memory_space<vmem_shared>>
      %dma_wait3A_48 = arith.constant 0 : i32
      %dma_wait3A_49 = tpu.memref_slice %arg8[%arg1, %dma_wait3A_48] : memref<16x10240xf32, #tpu.memory_space<vmem_shared>> -> memref<1x10240xf32, #tpu.memory_space<vmem_shared>>
      %dma_wait3A_50 = tpu.memref_squeeze %dma_wait3A_49 : memref<1x10240xf32, #tpu.memory_space<vmem_shared>> -> memref<10240xf32, #tpu.memory_space<vmem_shared>>
      tpu.wait_dma2 semaphore(%run_scoped3A : memref<!tpu.dma_semaphore, #tpu.memory_space<semaphore_mem>>) src(%arg7 : memref<10240xf32, #tpu.memory_space<vmem>>) dst(%dma_wait3A_50 : memref<10240xf32, #tpu.memory_space<vmem_shared>>)
      tpu.yield
    }) : () -> ()
    %barrier3A = arith.constant 0 : index
    tpu.barrier barrier_id(%barrier3A)
    %mul3A_25 = arith.constant 640 : i32
    %mul3A_26 = arith.muli %arg1, %mul3A_25 : i32
    "tpu.region"() ({
      %run_scoped3A = tpu.sem_alloc : memref<!tpu.dma_semaphore, #tpu.memory_space<semaphore_mem>>
      %dma_start3A_39 = arith.constant 0 : i32
      %dma_start3A_40 = tpu.memref_slice %arg8[%dma_start3A_39, %mul3A_26] : memref<16x10240xf32, #tpu.memory_space<vmem_shared>> -> memref<16x640xf32, #tpu.memory_space<vmem_shared>>
      %dma_start3A_41 = arith.constant 0 : i32
      %dma_start3A_42 = tpu.memref_slice %arg8[%dma_start3A_41, %mul3A_26] : memref<16x10240xf32, #tpu.memory_space<vmem_shared>> -> memref<16x640xf32, #tpu.memory_space<vmem_shared>>
      tpu.enqueue_dma source(%dma_start3A_42 : memref<16x640xf32, #tpu.memory_space<vmem_shared>>) target(%arg9 : memref<16x640xf32, #tpu.memory_space<vmem>>) target_semaphore(%run_scoped3A : memref<!tpu.dma_semaphore, #tpu.memory_space<semaphore_mem>>)
      %dma_wait3A_43 = arith.constant 0 : i32
      %dma_wait3A_44 = tpu.memref_slice %arg8[%dma_wait3A_43, %mul3A_26] : memref<16x10240xf32, #tpu.memory_space<vmem_shared>> -> memref<16x640xf32, #tpu.memory_space<vmem_shared>>
      %dma_wait3A_45 = arith.constant 0 : i32
      %dma_wait3A_46 = tpu.memref_slice %arg8[%dma_wait3A_45, %mul3A_26] : memref<16x10240xf32, #tpu.memory_space<vmem_shared>> -> memref<16x640xf32, #tpu.memory_space<vmem_shared>>
      tpu.wait_dma2 semaphore(%run_scoped3A : memref<!tpu.dma_semaphore, #tpu.memory_space<semaphore_mem>>) src(%dma_wait3A_46 : memref<16x640xf32, #tpu.memory_space<vmem_shared>>) dst(%arg9 : memref<16x640xf32, #tpu.memory_space<vmem>>)
      tpu.yield
    }) : () -> ()
    %scan3A_27 = arith.constant 0 : i32
    %scan3A_28 = arith.constant 0 : i32
    %scan3A_29 = arith.constant 40 : i32
    %scan3A_30 = arith.addi %scan3A_28, %scan3A_29 : i32
    %scan3A_31 = arith.constant 1 : i32
    %scan3A_32 = scf.for %scan3A_39 = %scan3A_28 to %scan3A_30 step %scan3A_31 iter_args(%scan3A_40 = %scan3A_27) -> (i32)  : i32 {
      %mul3A_41 = arith.constant 16 : i32
      %mul3A_42 = arith.muli %scan3A_39, %mul3A_41 : i32
      %get3A = arith.constant 0 : i32
      %get3A_43 = arith.index_cast %get3A : i32 to index
      %get3A_44 = arith.index_cast %mul3A_42 : i32 to index
      %get3A_45 = tpu.vector_load %arg9[%get3A_43, %get3A_44] {strides = array<i32>} : memref<16x640xf32, #tpu.memory_space<vmem>>, vector<16xf32>,
      %get3A_46 = arith.constant 1 : i32
      %get3A_47 = arith.index_cast %get3A_46 : i32 to index
      %get3A_48 = arith.index_cast %mul3A_42 : i32 to index
      %get3A_49 = tpu.vector_load %arg9[%get3A_47, %get3A_48] {strides = array<i32>} : memref<16x640xf32, #tpu.memory_space<vmem>>, vector<16xf32>,
      %add3A_50 = arith.addf %get3A_45, %get3A_49 : vector<16xf32>
      %get3A_51 = arith.constant 2 : i32
      %get3A_52 = arith.index_cast %get3A_51 : i32 to index
      %get3A_53 = arith.index_cast %mul3A_42 : i32 to index
      %get3A_54 = tpu.vector_load %arg9[%get3A_52, %get3A_53] {strides = array<i32>} : memref<16x640xf32, #tpu.memory_space<vmem>>, vector<16xf32>,
      %add3A_55 = arith.addf %add3A_50, %get3A_54 : vector<16xf32>
      %get3A_56 = arith.constant 3 : i32
      %get3A_57 = arith.index_cast %get3A_56 : i32 to index
      %get3A_58 = arith.index_cast %mul3A_42 : i32 to index
      %get3A_59 = tpu.vector_load %arg9[%get3A_57, %get3A_58] {strides = array<i32>} : memref<16x640xf32, #tpu.memory_space<vmem>>, vector<16xf32>,
      %add3A_60 = arith.addf %add3A_55, %get3A_59 : vector<16xf32>
      %get3A_61 = arith.constant 4 : i32
      %get3A_62 = arith.index_cast %get3A_61 : i32 to index
      %get3A_63 = arith.index_cast %mul3A_42 : i32 to index
      %get3A_64 = tpu.vector_load %arg9[%get3A_62, %get3A_63] {strides = array<i32>} : memref<16x640xf32, #tpu.memory_space<vmem>>, vector<16xf32>,
      %add3A_65 = arith.addf %add3A_60, %get3A_64 : vector<16xf32>
      %get3A_66 = arith.constant 5 : i32
      %get3A_67 = arith.index_cast %get3A_66 : i32 to index
      %get3A_68 = arith.index_cast %mul3A_42 : i32 to index
      %get3A_69 = tpu.vector_load %arg9[%get3A_67, %get3A_68] {strides = array<i32>} : memref<16x640xf32, #tpu.memory_space<vmem>>, vector<16xf32>,
      %add3A_70 = arith.addf %add3A_65, %get3A_69 : vector<16xf32>
      %get3A_71 = arith.constant 6 : i32
      %get3A_72 = arith.index_cast %get3A_71 : i32 to index
      %get3A_73 = arith.index_cast %mul3A_42 : i32 to index
      %get3A_74 = tpu.vector_load %arg9[%get3A_72, %get3A_73] {strides = array<i32>} : memref<16x640xf32, #tpu.memory_space<vmem>>, vector<16xf32>,
      %add3A_75 = arith.addf %add3A_70, %get3A_74 : vector<16xf32>
      %get3A_76 = arith.constant 7 : i32
      %get3A_77 = arith.index_cast %get3A_76 : i32 to index
      %get3A_78 = arith.index_cast %mul3A_42 : i32 to index
      %get3A_79 = tpu.vector_load %arg9[%get3A_77, %get3A_78] {strides = array<i32>} : memref<16x640xf32, #tpu.memory_space<vmem>>, vector<16xf32>,
      %add3A_80 = arith.addf %add3A_75, %get3A_79 : vector<16xf32>
      %get3A_81 = arith.constant 8 : i32
      %get3A_82 = arith.index_cast %get3A_81 : i32 to index
      %get3A_83 = arith.index_cast %mul3A_42 : i32 to index
      %get3A_84 = tpu.vector_load %arg9[%get3A_82, %get3A_83] {strides = array<i32>} : memref<16x640xf32, #tpu.memory_space<vmem>>, vector<16xf32>,
      %add3A_85 = arith.addf %add3A_80, %get3A_84 : vector<16xf32>
      %get3A_86 = arith.constant 9 : i32
      %get3A_87 = arith.index_cast %get3A_86 : i32 to index
      %get3A_88 = arith.index_cast %mul3A_42 : i32 to index
      %get3A_89 = tpu.vector_load %arg9[%get3A_87, %get3A_88] {strides = array<i32>} : memref<16x640xf32, #tpu.memory_space<vmem>>, vector<16xf32>,
      %add3A_90 = arith.addf %add3A_85, %get3A_89 : vector<16xf32>
      %get3A_91 = arith.constant 10 : i32
      %get3A_92 = arith.index_cast %get3A_91 : i32 to index
      %get3A_93 = arith.index_cast %mul3A_42 : i32 to index
      %get3A_94 = tpu.vector_load %arg9[%get3A_92, %get3A_93] {strides = array<i32>} : memref<16x640xf32, #tpu.memory_space<vmem>>, vector<16xf32>,
      %add3A_95 = arith.addf %add3A_90, %get3A_94 : vector<16xf32>
      %get3A_96 = arith.constant 11 : i32
      %get3A_97 = arith.index_cast %get3A_96 : i32 to index
      %get3A_98 = arith.index_cast %mul3A_42 : i32 to index
      %get3A_99 = tpu.vector_load %arg9[%get3A_97, %get3A_98] {strides = array<i32>} : memref<16x640xf32, #tpu.memory_space<vmem>>, vector<16xf32>,
      %add3A_100 = arith.addf %add3A_95, %get3A_99 : vector<16xf32>
      %get3A_101 = arith.constant 12 : i32
      %get3A_102 = arith.index_cast %get3A_101 : i32 to index
      %get3A_103 = arith.index_cast %mul3A_42 : i32 to index
      %get3A_104 = tpu.vector_load %arg9[%get3A_102, %get3A_103] {strides = array<i32>} : memref<16x640xf32, #tpu.memory_space<vmem>>, vector<16xf32>,
      %add3A_105 = arith.addf %add3A_100, %get3A_104 : vector<16xf32>
      %get3A_106 = arith.constant 13 : i32
      %get3A_107 = arith.index_cast %get3A_106 : i32 to index
      %get3A_108 = arith.index_cast %mul3A_42 : i32 to index
      %get3A_109 = tpu.vector_load %arg9[%get3A_107, %get3A_108] {strides = array<i32>} : memref<16x640xf32, #tpu.memory_space<vmem>>, vector<16xf32>,
      %add3A_110 = arith.addf %add3A_105, %get3A_109 : vector<16xf32>
      %get3A_111 = arith.constant 14 : i32
      %get3A_112 = arith.index_cast %get3A_111 : i32 to index
      %get3A_113 = arith.index_cast %mul3A_42 : i32 to index
      %get3A_114 = tpu.vector_load %arg9[%get3A_112, %get3A_113] {strides = array<i32>} : memref<16x640xf32, #tpu.memory_space<vmem>>, vector<16xf32>,
      %add3A_115 = arith.addf %add3A_110, %get3A_114 : vector<16xf32>
      %get3A_116 = arith.constant 15 : i32
      %get3A_117 = arith.index_cast %get3A_116 : i32 to index
      %get3A_118 = arith.index_cast %mul3A_42 : i32 to index
      %get3A_119 = tpu.vector_load %arg9[%get3A_117, %get3A_118] {strides = array<i32>} : memref<16x640xf32, #tpu.memory_space<vmem>>, vector<16xf32>,
      %add3A_120 = arith.addf %add3A_115, %get3A_119 : vector<16xf32>
      %swap3A = arith.index_cast %mul3A_42 : i32 to index
      %swap3A_121 = tpu.vector_load %arg10[%swap3A] {strides = array<i32>} : memref<640xf32, #tpu.memory_space<vmem>>, vector<16xf32>,
      tpu.vector_store %arg10[%swap3A], %add3A_120 {strides = array<i32>} : memref<640xf32, #tpu.memory_space<vmem>>, vector<16xf32>,
      %scan3A_122 = arith.constant 0 : i32
      scf.yield %scan3A_122 : i32
    }
    %scan3A_33 = arith.constant 40 : i32
    %mul3A_34 = arith.constant 10240 : i32
    %mul3A_35 = arith.muli %arg0, %mul3A_34 : i32
    %mul3A_36 = arith.constant 640 : i32
    %mul3A_37 = arith.muli %arg1, %mul3A_36 : i32
    %add3A_38 = arith.addi %mul3A_35, %mul3A_37 : i32
    "tpu.region"() ({
      %run_scoped3A = tpu.sem_alloc : memref<!tpu.dma_semaphore, #tpu.memory_space<semaphore_mem>>
      %dma_start3A_39 = tpu.memref_slice %arg4[%add3A_38] : memref<20480xf32, #tpu.memory_space<hbm>> -> memref<640xf32, #tpu.memory_space<hbm>>
      %dma_start3A_40 = tpu.memref_slice %arg4[%add3A_38] : memref<20480xf32, #tpu.memory_space<hbm>> -> memref<640xf32, #tpu.memory_space<hbm>>
      tpu.enqueue_dma source(%arg10 : memref<640xf32, #tpu.memory_space<vmem>>) target(%dma_start3A_40 : memref<640xf32, #tpu.memory_space<hbm>>) target_semaphore(%run_scoped3A : memref<!tpu.dma_semaphore, #tpu.memory_space<semaphore_mem>>)
      %dma_wait3A_41 = tpu.memref_slice %arg4[%add3A_38] : memref<20480xf32, #tpu.memory_space<hbm>> -> memref<640xf32, #tpu.memory_space<hbm>>
      %dma_wait3A_42 = tpu.memref_slice %arg4[%add3A_38] : memref<20480xf32, #tpu.memory_space<hbm>> -> memref<640xf32, #tpu.memory_space<hbm>>
      tpu.wait_dma2 semaphore(%run_scoped3A : memref<!tpu.dma_semaphore, #tpu.memory_space<semaphore_mem>>) src(%arg10 : memref<640xf32, #tpu.memory_space<vmem>>) dst(%dma_wait3A_42 : memref<640xf32, #tpu.memory_space<hbm>>)
      tpu.yield
    }) : () -> ()
    return
  }
}

module attributes {stable_mosaic.version = 14 : i64} {
  func.func @_matvec_body(%arg0: i32, %arg1: memref<1x12800x128xf32, #tpu.memory_space<vmem>>, %arg2: memref<1x128xf32, #tpu.memory_space<vmem>>, %arg3: memref<1x1xf32, #tpu.memory_space<smem>>, %arg4: memref<1x1x12800xf32, #tpu.memory_space<vmem>>) attributes {dimension_semantics = [#tpu.dimension_semantics<arbitrary>], iteration_bounds = array<i64: 4>, scalar_prefetch = 0 : i64, scratch_operands = 0 : i64, tpu.core_type = #tpu.core_type<tc>, window_params = [{transform_indices = @transform_0, window_bounds = array<i64: 1, 12800, 128>}, {pipeline_mode = #tpu.pipeline_mode<synchronous>, transform_indices = @transform_1, window_bounds = array<i64: 1, 128>}, {transform_indices = @transform_2, window_bounds = array<i64: 1, 1>}, {transform_indices = @transform_3, window_bounds = array<i64: 1, 1, 12800>}]} {
    %get3A = arith.constant 0 : index
    %get3A_0 = arith.constant 0 : index
    %get3A_1 = arith.constant 0 : index
    %get3A_2 = vector.load %arg1[%get3A, %get3A_0, %get3A_1] : memref<1x12800x128xf32, #tpu.memory_space<vmem>>, vector<1x12800x128xf32>
    %get3A_3 = vector.shape_cast %get3A_2 : vector<1x12800x128xf32> to vector<12800x128xf32>
    %get3A_4 = arith.constant 0 : index
    %get3A_5 = arith.constant 0 : index
    %get3A_6 = vector.load %arg2[%get3A_4, %get3A_5] : memref<1x128xf32, #tpu.memory_space<vmem>>, vector<1x128xf32>
    %dot_general3A = arith.constant dense<0.000000e+00> : vector<1x12800xf32>
    %dot_general3A_7 = tpu.matmul %get3A_6, %get3A_3, %dot_general3A {dimension_numbers = #tpu.dot_dimension_numbers<[1], [1], [0], [0], [0, 0, 1, 0], [], []>, transpose_lhs_hint = false} : vector<1x128xf32>, vector<12800x128xf32>, vector<1x12800xf32> -> vector<1x12800xf32>
    %get3A_8 = arith.constant 0 : index
    %get3A_9 = arith.constant 0 : index
    %get3A_10 = memref.load %arg3[%get3A_8, %get3A_9] : memref<1x1xf32, #tpu.memory_space<smem>>
    %add3A = vector.broadcast %get3A_10 : f32 to vector<1x12800xf32>
    %add3A_11 = arith.addf %dot_general3A_7, %add3A : vector<1x12800xf32>
    %reshape3A = vector.shape_cast %add3A_11 : vector<1x12800xf32> to vector<1x1x12800xf32>
    %swap3A = arith.constant 0 : index
    %swap3A_12 = arith.constant 0 : index
    %swap3A_13 = arith.constant 0 : index
    %swap3A_14 = vector.load %arg4[%swap3A, %swap3A_12, %swap3A_13] : memref<1x1x12800xf32, #tpu.memory_space<vmem>>, vector<1x1x12800xf32>
    tpu.vector_store %arg4[%swap3A, %swap3A_12, %swap3A_13], %reshape3A {strides = array<i32>} : memref<1x1x12800xf32, #tpu.memory_space<vmem>>, vector<1x1x12800xf32>,
    return
  }
  func.func @transform_0(%arg0: i32) -> (i32, i32, i32) {
    %add3A = arith.constant 21 : i32
    %add3A_0 = arith.addi %arg0, %add3A : i32
    %c0_i32 = arith.constant 0 : i32
    %c0_i32_1 = arith.constant 0 : i32
    %c0_i32_2 = arith.constant 0 : i32
    return %add3A_0, %c0_i32, %c0_i32_1 : i32, i32, i32
  }
  func.func @transform_1(%arg0: i32) -> (i32, i32) {
    %c0_i32 = arith.constant 0 : i32
    %c0_i32_0 = arith.constant 0 : i32
    %c0_i32_1 = arith.constant 0 : i32
    return %c0_i32, %c0_i32_0 : i32, i32
  }
  func.func @transform_2(%arg0: i32) -> (i32, i32) {
    %c0_i32 = arith.constant 0 : i32
    %c0_i32_0 = arith.constant 0 : i32
    %c0_i32_1 = arith.constant 0 : i32
    return %c0_i32, %c0_i32_0 : i32, i32
  }
  func.func @transform_3(%arg0: i32) -> (i32, i32, i32) {
    %c0_i32 = arith.constant 0 : i32
    %c0_i32_0 = arith.constant 0 : i32
    %c0_i32_1 = arith.constant 0 : i32
    return %arg0, %c0_i32, %c0_i32_0 : i32, i32, i32
  }
}

module attributes {stable_mosaic.version = 14 : i64} {
  func.func @_matvec_body(%arg0: i32, %arg1: memref<1x12800x128xf32, #tpu.memory_space<vmem>>, %arg2: memref<1x128xf32, #tpu.memory_space<vmem>>, %arg3: memref<1x1xf32, #tpu.memory_space<smem>>, %arg4: memref<1x1x12800xf32, #tpu.memory_space<vmem>>) attributes {dimension_semantics = [#tpu.dimension_semantics<arbitrary>], iteration_bounds = array<i64: 21>, scalar_prefetch = 0 : i64, scratch_operands = 0 : i64, tpu.core_type = #tpu.core_type<tc>, window_params = [{transform_indices = @transform_0, window_bounds = array<i64: 1, 12800, 128>}, {pipeline_mode = #tpu.pipeline_mode<synchronous>, transform_indices = @transform_1, window_bounds = array<i64: 1, 128>}, {transform_indices = @transform_2, window_bounds = array<i64: 1, 1>}, {transform_indices = @transform_3, window_bounds = array<i64: 1, 1, 12800>}]} {
    %get3A = arith.constant 0 : index
    %get3A_0 = arith.constant 0 : index
    %get3A_1 = arith.constant 0 : index
    %get3A_2 = vector.load %arg1[%get3A, %get3A_0, %get3A_1] : memref<1x12800x128xf32, #tpu.memory_space<vmem>>, vector<1x12800x128xf32>
    %get3A_3 = vector.shape_cast %get3A_2 : vector<1x12800x128xf32> to vector<12800x128xf32>
    %get3A_4 = arith.constant 0 : index
    %get3A_5 = arith.constant 0 : index
    %get3A_6 = vector.load %arg2[%get3A_4, %get3A_5] : memref<1x128xf32, #tpu.memory_space<vmem>>, vector<1x128xf32>
    %dot_general3A = arith.constant dense<0.000000e+00> : vector<1x12800xf32>
    %dot_general3A_7 = tpu.matmul %get3A_6, %get3A_3, %dot_general3A {dimension_numbers = #tpu.dot_dimension_numbers<[1], [1], [0], [0], [0, 0, 1, 0], [], []>, transpose_lhs_hint = false} : vector<1x128xf32>, vector<12800x128xf32>, vector<1x12800xf32> -> vector<1x12800xf32>
    %get3A_8 = arith.constant 0 : index
    %get3A_9 = arith.constant 0 : index
    %get3A_10 = memref.load %arg3[%get3A_8, %get3A_9] : memref<1x1xf32, #tpu.memory_space<smem>>
    %add3A = vector.broadcast %get3A_10 : f32 to vector<1x12800xf32>
    %add3A_11 = arith.addf %dot_general3A_7, %add3A : vector<1x12800xf32>
    %reshape3A = vector.shape_cast %add3A_11 : vector<1x12800xf32> to vector<1x1x12800xf32>
    %swap3A = arith.constant 0 : index
    %swap3A_12 = arith.constant 0 : index
    %swap3A_13 = arith.constant 0 : index
    %swap3A_14 = vector.load %arg4[%swap3A, %swap3A_12, %swap3A_13] : memref<1x1x12800xf32, #tpu.memory_space<vmem>>, vector<1x1x12800xf32>
    tpu.vector_store %arg4[%swap3A, %swap3A_12, %swap3A_13], %reshape3A {strides = array<i32>} : memref<1x1x12800xf32, #tpu.memory_space<vmem>>, vector<1x1x12800xf32>,
    return
  }
  func.func @transform_0(%arg0: i32) -> (i32, i32, i32) {
    %add3A = arith.constant 0 : i32
    %add3A_0 = arith.addi %arg0, %add3A : i32
    %c0_i32 = arith.constant 0 : i32
    %c0_i32_1 = arith.constant 0 : i32
    %c0_i32_2 = arith.constant 0 : i32
    return %add3A_0, %c0_i32, %c0_i32_1 : i32, i32, i32
  }
  func.func @transform_1(%arg0: i32) -> (i32, i32) {
    %c0_i32 = arith.constant 0 : i32
    %c0_i32_0 = arith.constant 0 : i32
    %c0_i32_1 = arith.constant 0 : i32
    return %c0_i32, %c0_i32_0 : i32, i32
  }
  func.func @transform_2(%arg0: i32) -> (i32, i32) {
    %c0_i32 = arith.constant 0 : i32
    %c0_i32_0 = arith.constant 0 : i32
    %c0_i32_1 = arith.constant 0 : i32
    return %c0_i32, %c0_i32_0 : i32, i32
  }
  func.func @transform_3(%arg0: i32) -> (i32, i32, i32) {
    %c0_i32 = arith.constant 0 : i32
    %c0_i32_0 = arith.constant 0 : i32
    %c0_i32_1 = arith.constant 0 : i32
    return %arg0, %c0_i32, %c0_i32_0 : i32, i32, i32
  }
}

</mosaic_0001>

<sc_bundles>
// kernel: kernel.6.cloned.1.call-start
scs
__scs_entry_jumppad:
0x0: {  	(pc) =	sbr.rel $0x88, $3  }
0x1: {  	(tag) =	ssettag $0x0;
	lr =	simm.s32 $0x1  }
0x2: {  	[smem:$0x3F9D] =	sst lr;
	_ =	strace $0xD0000000  }
0x3: {  	_ = 	snop  }
0x4: {  	_ = 	snop  }
0x5: {  	_ = 	snop  }
0x6: {  	_ = 	snop  }
0x7: {  	_ = 	snop  }
__scs_overlays_trampoline_lowered:
0x8: {  	[smem:$0x3FAC] =	sst s0  }
0x9: {  	[smem:$0x3FAD] =	sst s1  }
0xa: {  	[smem:$0x3FAE] =	sst s2  }
0xb: {  	[smem:$0x3FAF] =	sst s3  }
0xc: {  	[smem:$0x3FB0] =	sst s4  }
0xd: {  	[smem:$0x3FB1] =	sst s5  }
0xe: {  	[smem:$0x3FB2] =	sst s6  }
0xf: {  	[smem:$0x3FB3] =	sst s7  }
0x10: {  	[smem:$0x3FB4] =	sst s8  }
0x11: {  	[smem:$0x3FB5] =	sst s9;
	s0 =	simm.s32 @!p0 $0x0  }
0x12: {  	s1 =	sld [smem:$0x3F9B];
	s0 =	simm.s32 @p0 $0x1  }
0x13: {  	[smem:$0x3FB6] =	sst s0;
	s0 =	simm.s32 @!p1 $0x0  }
0x14: {  	s2 =	sld [smem:$0x3F9A];
	s0 =	simm.s32 @p1 $0x1  }
0x15: {  	[smem:$0x3FB7] =	sst s0;
	s0 =	simm.s32 @!p2 $0x0  }
0x16: {  	s3 =	sld [smem:$0x3FDB];
	s0 =	simm.s32 @p2 $0x1  }
0x17: {  	s4 =	simm.s32 $0x1BF5;
	[smem:$0x3FB9] =	sst s0  }
0x18: {  	s0 =	sld [smem:$0x3F9C];
	_ =	swait.ge [sflag:s4], $0x0  }
0x19: {  	s7 =	sld [smem:$0x3F9D]  }
0x1a: {  	s8 =	sadd.s32 $0xFFFFE003, lr  }
0x1b: {  	s9 =	sadd.s32 $0xFFFFFEF7, lr;
	s5 =	simm.s32 $0xFFFFFFFF;
	p2 =	slt.u32 s8, $0xFFFFF086  }
0x1c: {  	p1 =	slt.u32 s9, $0xF7A;
	s5 =	simm.s32 @!p2 $0x0  }
0x1d: {  	s5 =	simm.s32 @p1 $0x1;
	p0 =	seq.s32 s7, s2  }
0x1e: {  	s7 =	smul.u32 @!p0 $0xF7A, s2;
	p2 =	seq.s32 @!p0 s5, $0x0  }
0x1f: {  	s9 =	smul.u32 $0xF7A, s1;
	s8 =	simm.s32 @!p0 $0x1BF5;
	p2 =	por !p2, p0  }
0x20: {  	[sflag:s8] =	ssyncset.s32 @!p0 $0xFFFFF086;
	s6 =	sadd.s32 @!p0 s3, s7;
	s7 =	simm.s32 @!p0 $0x108  }
0x21: {  	s3 =	sadd.s32 s3, s9;
	s6 =	sadd.s32 @!p0 $0x88, s6;
	s7 =	simm.s32 @p2 $0x1082  }
0x22: {  	[simem:s7], [sflag:s8] =	dma.local @!p0 [hbm:s6], $0xF7A  }
0x23: {  	s9 =	sor.u32 $0xD0000000, s2;
	s6 =	simm.s32 $0x108;
	_ =	swait.ge @!p0 [sflag:s8], $0x0  }
0x24: {  	s3 =	sadd.s32 $0x88, s3;
	s6 =	simm.s32 @!p1 $0x1082;
	[sflag:s4] =	ssyncset.s32 $0xFFFFF086  }
0x25: {  	[simem:s6], [sflag:s4] =	dma.local [hbm:s3], $0xF7A  }
0x26: {  	[smem:$0x3F9D] =	sst s1;
	(tag) =	ssettag s2;
	_ =	strace s9  }
0x27: {  	s1 =	sld [smem:$0x3FAD]  }
0x28: {  	s2 =	sld [smem:$0x3FAE]  }
0x29: {  	s4 =	sld [smem:$0x3FB0]  }
0x2a: {  	p0 =	seq.s32 s5, $0x0;
	s5 =	sld [smem:$0x3FB1]  }
0x2b: {  	s6 =	sld [smem:$0x3FB2]  }
0x2c: {  	s7 =	sld [smem:$0x3FB3]  }
0x2d: {  	s3 =	simm.s32 $0x108;
	s8 =	sld [smem:$0x3FB4]  }
0x2e: {  	s3 =	simm.s32 @!p0 $0x1082;
	s9 =	sld [smem:$0x3FB5]  }
0x2f: {  	lr =	sadd.s32 s0, s3;
	s0 =	sld [smem:$0x3FAC]  }
0x30: {  	s3 =	sld [smem:$0x3FAF]  }
0x31: {  	[smem:$0x3FB8] =	sst s10  }
0x32: {  	s10 =	sld [smem:$0x3FB6];
	_ =	sdelay $0x3  }
0x33: {  	p0 =	seq.s32 s10, $0x1;
	s10 =	sld [smem:$0x3FB8];
	_ =	sdelay $0x3  }
0x34: {  	[smem:$0x3FB8] =	sst s10  }
0x35: {  	s10 =	sld [smem:$0x3FB7];
	_ =	sdelay $0x3  }
0x36: {  	p1 =	seq.s32 s10, $0x1;
	s10 =	sld [smem:$0x3FB8];
	_ =	sdelay $0x3  }
0x37: {  	[smem:$0x3FB8] =	sst s10  }
0x38: {  	s10 =	sld [smem:$0x3FB9]  }
0x39: {  	_ = 	snop;
	(pc) =	sbr.ind lr, $3  }
0x3a: {  	_ = 	snop  }
0x3b: {  	_ = 	snop  }
0x3c: {  	p2 =	seq.s32 s10, $0x1;
	s10 =	sld [smem:$0x3FB8]  }
0x3d: {  	_ =	shalt  }
0x3e: {  	_ =	shalt  }
0x3f: {  	_ =	shalt  }
0x40: {  	_ =	shalt  }
0x41: {  	_ =	shalt  }
0x42: {  	_ =	shalt  }
0x43: {  	_ =	shalt  }
0x44: {  	_ =	shalt  }
0x45: {  	_ =	shalt  }
0x46: {  	_ =	shalt  }
0x47: {  	_ =	shalt  }
0x48: {  	_ =	shalt  }
0x49: {  	_ =	shalt  }
0x4a: {  	_ =	shalt  }
0x4b: {  	_ =	shalt  }
0x4c: {  	_ =	shalt  }
0x4d: {  	_ =	shalt  }
0x4e: {  	_ =	shalt  }
0x4f: {  	_ =	shalt  }
0x50: {  	_ =	shalt  }
0x51: {  	_ =	shalt  }
0x52: {  	_ =	shalt  }
0x53: {  	_ =	shalt  }
0x54: {  	_ =	shalt  }
0x55: {  	_ =	shalt  }
0x56: {  	_ =	shalt  }
0x57: {  	_ =	shalt  }
0x58: {  	_ =	shalt  }
0x59: {  	_ =	shalt  }
0x5a: {  	_ =	shalt  }
0x5b: {  	_ =	shalt  }
0x5c: {  	_ =	shalt  }
0x5d: {  	_ =	shalt  }
0x5e: {  	_ =	shalt  }
0x5f: {  	_ =	shalt  }
0x60: {  	_ =	shalt  }
0x61: {  	_ =	shalt  }
0x62: {  	_ =	shalt  }
0x63: {  	_ =	shalt  }
0x64: {  	_ =	shalt  }
0x65: {  	_ =	shalt  }
0x66: {  	_ =	shalt  }
0x67: {  	_ =	shalt  }
0x68: {  	_ =	shalt  }
0x69: {  	_ =	shalt  }
0x6a: {  	_ =	shalt  }
0x6b: {  	_ =	shalt  }
0x6c: {  	_ =	shalt  }
0x6d: {  	_ =	shalt  }
0x6e: {  	_ =	shalt  }
0x6f: {  	_ =	shalt  }
0x70: {  	_ =	shalt  }
0x71: {  	_ =	shalt  }
0x72: {  	_ =	shalt  }
0x73: {  	_ =	shalt  }
0x74: {  	_ =	shalt  }
0x75: {  	_ =	shalt  }
0x76: {  	_ =	shalt  }
0x77: {  	_ =	shalt  }
0x78: {  	_ =	shalt  }
0x79: {  	_ =	shalt  }
0x7a: {  	_ =	shalt  }
0x7b: {  	_ =	shalt  }
0x7c: {  	_ =	shalt  }
0x7d: {  	_ =	shalt  }
0x7e: {  	_ =	shalt  }
0x7f: {  	_ =	shalt  }
0x80: {  	_ =	shalt  }
0x81: {  	_ =	shalt  }
0x82: {  	_ =	shalt  }
0x83: {  	_ =	shalt  }
0x84: {  	_ =	shalt  }
0x85: {  	_ =	shalt  }
0x86: {  	_ =	shalt  }
0x87: {  	_ =	shalt  }
.Lfunc_end0:
.L_simem_size_0:
called_computation_lowered:
.L_overlay_start_0:
0x88: {  	s2 =	sld [smem:$0x3FD9]  }
0x89: {  	s3 =	sld [smem:$0x3FFE];
	_ =	sdelay $0x1  }
0x8a: {  	s1 =	srdreg.scid  }
0x8b: {  	s0 =	sand.u32 $0x1, s1  }
0x8c: {  	s17 =	sshll.u32 s0, $0xA;
	s2 =	sadd.s32 s3, s2  }
0x8d: {  	s2 =	sadd.s32 s2, s17  }
0x8e: {  	[smem:$0x3FC4] =	sst s2  }
0x8f: {  	_ = 	snop  }
0x90: {  	s2 =	sld [smem:$0x3FC9];
	(tm) =	ssettm $0x1  }
0x91: {  	s18 =	sld [smem:$0x3FFB];
	_ =	sdelay $0x3  }
0x92: {  	_ =	strace s18  }
0x93: {  	s3 =	sld [smem:$0x3FFC];
	_ =	sdelay $0x3  }
0x94: {  	_ =	strace s3  }
0x95: {  	s3 =	sld [smem:$0x3FFD];
	_ =	sdelay $0x3  }
0x96: {  	_ =	strace s3  }
0x97: {  	_ =	strace $0x8FFFFFFF  }
0x98: {  	s19 =	sld [smem:$0x3FDB];
	_ =	sdelay $0x1  }
0x99: {  	s4 =	simm.s32 $_scs_section_size  }
0x9a: {  	s5 =	simm.s32 $_size__tile_overlayer_lowered;
	s6 =	simm.s32 $_tile_overlayer_lowered  }
0x9b: {  	s22 =	simm.s32 $0x1BFF;
	s21 =	sshll.u32 s6, $0x1;
	s3 =	sadd.s32 s4, s19  }
0x9c: {  	s7 =	simm.s32 $0x0;
	s20 =	sshll.u32 s5, $0x1;
	s5 =	sadd.s32 s21, s3  }
0x9d: {  	[timem:s7], [sflag:s22] =	dma.local [hbm:s5], s20  }
0x9e: {  	_ =	swait.ge [sflag:s22], s20  }
0x9f: {  	s4 =	ssub.s32 $0x0, s20;
	[sflag:s22] =	ssyncset.done $0x0  }
0xa0: {  	[sflag:s22] =	ssyncadd.s32 s4;
	_ =	sdelay $0x1  }
0xa1: {  	s23 =	simm.s32 $0x1B8B  }
0xa2: {  	_ =	swait.ge [sflag:s23], $0x1  }
0xa3: {  	[sflag:s23] =	ssyncset.done $0x0  }
0xa4: {  	s25 =	simm.s32 $0x1B8E;
	s24 =	sld [smem:$0x3FFE];
	[sflag:s23] =	ssyncadd.s32 $0xFFFFFFFF  }
0xa5: {  	s26 =	simm.s32 $execute0_lowered;
	[smem:$0x3FD2] =	sst s25  }
0xa6: {  	s5 =	sshll.u32 s26, $0x1;
	_ =	strace $0x80000046;
	[dreg:$0x1] =	wrdreg $0xFFFFFFFF  }
0xa7: {  	s28 =	simm.s32 $_size_execute0_lowered;
	s3 =	sadd.s32 s3, s5;
	[dreg:$0x0] =	wrdreg $0x0  }
0xa8: {  	s5 =	sshll.u32 s28, $0x1;
	[dreg:$0x2] =	wrdreg s3  }
0xa9: {  	[dreg:$0x3] =	wrdreg s5  }
0xaa: {  	[dreg:$0x4] =	wrdreg $0xC0  }
0xab: {  	_ =	task [dreg:s7], $0x5FFFF  }
0xac: {  	[dreg:$0x1] =	wrdreg $0xFFFFFFFF  }
0xad: {  	[dreg:$0x0] =	wrdreg $0x60  }
0xae: {  	[dreg:$0x2] =	wrdreg s2  }
0xaf: {  	[dreg:$0x3] =	wrdreg s24  }
0xb0: {  	[dreg:$0x4] =	wrdreg $0x6A000  }
0xb1: {  	[dreg:$0x5] =	wrdreg $0x9  }
0xb2: {  	_ =	task.clear_ibuf [dreg:s7], $0x6FFFF;
	_ =	strace $0x90000046  }
0xb3: {  	s29 =	simm.s32 $0x9;
	_ =	strace $0x80000048  }
0xb4: {  	_ =	swait.ge [sflag:s29], $0x1  }
0xb5: {  	[sflag:s29] =	ssyncadd.s32 $0xFFFFFFFF  }
0xb6: {  	_ =	strace $0x90000048  }
0xb7: {  	_ =	sfence  }
0xb8: {  	s30 =	sld [smem:$0x0];
	_ =	sdelay $0x2  }
0xb9: {  	s31 =	sshll.u32 s1, $0xD;
	s1 =	sshrl.u32 s1, $0x2  }
0xba: {  	s3 =	sand.u32 $0x4000, s31;
	s1 =	sadd.s32 s1, s30  }
0xbb: {  	s0 =	sor.u32 s3, s0;
	s1 =	sshll.u32 s1, $0x11  }
0xbc: {  	s0 =	sor.u32 s1, s0  }
0xbd: {  	s0 =	sadd.s32 $0x8F2B, s0  }
0xbe: {  	[sflag:s0] =	ssyncadd.remote.s32 $0x1  }
0xbf: {  	_ =	sfence.sel $0xFFFF  }
0xc0: {  	[dreg:$0x0] =	wrdreg $0xFFFFFFFF;
	(pc) =	sbr.abs _section_cstart, $3  }
0xc1: {  	[dreg:$0x1] =	wrdreg $0xFFFFFFFF  }
0xc2: {  	_ =	task.clear_ibuf [dreg:s7], $0x2FFFF;
	_ =	strace $0x9FFFFFFF  }
0xc3: {  	(tm) =	ssettm $0x7FFFFFFF  }
tec
execute0_lowered:
.L_overlay_start_1:
0x0: {  	(tag) =	ssettag $0x1  }
0x1: {  	s3 =	rddreg [dreg:$0x0]  }
0x2: {  	s4 =	rddreg [dreg:$0x1]  }
0x3: {  	s6 =	rddreg [dreg:$0x2]  }
0x4: {  	s0 =	rddreg [dreg:$0x3];
	s2 =	simm.s32 $0x0;
	s5 =	srdreg.scid  }
0x5: {  	s1 =	stileid.u32;
	s12 =	simm.s32 $0x4200;
	s13 =	simm.s32 $0x80  }
0x6: {  	s14 =	simm.s32 $0x400;
	s15 =	simm.s32 $0x3;
	s16 =	simm.s32 $0x1400  }
0x7: {  	s17 =	simm.s32 $0x14000;
	s18 =	simm.s32 $0x9200;
	s19 =	simm.s32 $0xBA00  }
0x8: {  	s20 =	simm.s32 $0x0;
	s5 =	sand.u32 $0x1, s5;
	s7 =	sshll.u32 s1, $0x1  }
0x9: {  	s8 =	smul.u32 $0x280, s1;
	[smem:$0x7FF] =	sst s2;
	s25 =	sshrl.u32 s1, $0x3  }
0xa: {  	s26 =	sshll.u32 s1, $0x7;
	s29 =	smul.u32 $0x5000, s1;
	s7 =	sor.u32 s5, s7  }
0xb: {  	s9 =	smul.u32 $0x2800, s5;
	_ =	strace $0x80000047;
	s5 =	ssub.s32 $0x2, s5  }
0xc: {  	s30 =	sand.u32 $0x380, s26;
	s7 =	smul.u32 $0x41A, s7;
	s10 =	sshrl.u32 s5, $0x1  }
0xd: {  	s31 =	sshrl.u32 s29, $0x2;
	s8 =	sadd.s32 s8, s9;
	s9 =	smul.u32 $0x50000, s25  }
0xe: {  	s10 =	ssub.s32 s5, s10;
	s8 =	sshrl.u32 s8, $0x3;
	s11 =	sadd.s32 s7, s4  }
0xf: {  	s3 =	sadd.s32 s3, s7;
	s8 =	sadd.s32 s8, s4;
	s28 =	sshrl.u32 s9, $0x2  }
0x10: {  	s4 =	sadd.s32 $0xA00, s11;
	s9 =	simm.s32 $0x2100;
	s11 =	simm.s32 $0x2  }
0x11: {  	s5 =	sadd.s32 s28, s6;
	s6 =	sadd.s32 s31, s6;
	s7 =	sadd.s32 $0x8E00, s8  }
0x12: {  	v0 =	vimm.f32 $0.0e+00;
	s8 =	smax.u32 s10, $0x1;
	s10 =	simm.s32 $0x1;
	s5 =	sadd.s32 s30, s5  }
.LBB2_1:
0x13: {  	[tilespmem:s2], [sflag:$0x1] =	stream.linear.gather [hbm4b:s3+s2], $0x20D0, $0x38;
	[tilespmem:$0xBC80] =	vst v63  }
0x14: {  	s21 =	simm.s32 $0x0;
	s22 =	simm.s32 $0x200  }
0x15: {  	[tilespmem:s9], [sflag:$0x2] =	stream.linear.gather [hbm4b:s4+s2], $0x20D0, $0x38;
	[tilespmem:$0xBC80] =	vst v63  }
.LBB2_2:
0x16: {  	p0 =	sne.s32 s22, $0x9E00;
	[tilespmem:s21+$0x4270] =	vst v0  }
0x17: {  	[tilespmem:s21+$0x4200] =	vst v0  }
0x18: {  	[tilespmem:s21+$0x4210] =	vst v0  }
.Ltmp0:
0x19: {  	[tilespmem:s21+$0x4220] =	vst v0;
	(pc) =	sbr.rel @p0 .LBB2_2-.Ltmp0, $4  }
0x1a: {  	[tilespmem:s21+$0x4230] =	vst v0  }
0x1b: {  	[tilespmem:s21+$0x4240] =	vst v0  }
0x1c: {  	[tilespmem:s21+$0x4250] =	vst v0  }
0x1d: {  	[tilespmem:s21+$0x4260] =	vst v0;
	s21 =	sshra.s32 s22, $0x2;
	s22 =	sadd.s32 $0x200, s22  }
0x1e: {  	[tilespmem:s21+$0x4270] =	vst v0  }
0x1f: {  	[tilespmem:s21+$0x4200] =	vst v0  }
0x20: {  	[tilespmem:s21+$0x4210] =	vst v0  }
0x21: {  	[tilespmem:s21+$0x4220] =	vst v0  }
0x22: {  	[tilespmem:s21+$0x4230] =	vst v0  }
0x23: {  	[tilespmem:s21+$0x4240] =	vst v0  }
0x24: {  	[tilespmem:s21+$0x4250] =	vst v0  }
0x25: {  	[tilespmem:s21+$0x4260] =	vst v0  }
0x26: {  	_ =	swait.ge [sflag:s10], $0x20D0  }
0x27: {  	[sflag:s10] =	ssyncset.done $0x0  }
0x28: {  	[sflag:s10] =	ssyncadd.s32 $0xFFFFDF30  }
0x29: {  	_ =	swait.ge [sflag:s11], $0x20D0  }
0x2a: {  	[sflag:s11] =	ssyncset.done $0x0  }
0x2b: {  	s21 =	simm.s32 $0x0;
	[sflag:s11] =	ssyncadd.s32 $0xFFFFDF30  }
.LBB2_4:
0x2c: {  	s22 =	sshra.s32 s21, $0x2  }
0x2d: {  	v1 =	vld [tilespmem:s22+$0x0];
	_ =	sdelay $0x2  }
0x2e: {  	v2 =	vld [tilespmem:s22+$0x2100];
	_ =	sdelay $0x4  }
0x2f: {  	[tilespmem:v1+s12+$0x0] =	vst.idx.add.f32.msk $0xffff, v2  }
0x30: {  	v1 =	vld [tilespmem:s22+$0x10];
	_ =	sdelay $0x2  }
0x31: {  	v2 =	vld [tilespmem:s22+$0x2110];
	_ =	sdelay $0x4  }
0x32: {  	[tilespmem:v1+s12+$0x0] =	vst.idx.add.f32.msk $0xffff, v2  }
0x33: {  	v1 =	vld [tilespmem:s22+$0x20];
	_ =	sdelay $0x2  }
0x34: {  	v2 =	vld [tilespmem:s22+$0x2120];
	_ =	sdelay $0x4  }
0x35: {  	[tilespmem:v1+s12+$0x0] =	vst.idx.add.f32.msk $0xffff, v2  }
0x36: {  	v1 =	vld [tilespmem:s22+$0x30];
	_ =	sdelay $0x2  }
0x37: {  	v2 =	vld [tilespmem:s22+$0x2130];
	_ =	sdelay $0x4  }
0x38: {  	[tilespmem:v1+s12+$0x0] =	vst.idx.add.f32.msk $0xffff, v2  }
0x39: {  	v1 =	vld [tilespmem:s22+$0x40];
	_ =	sdelay $0x2  }
0x3a: {  	p0 =	sne.s32 s21, $0x8200;
	v2 =	vld [tilespmem:s22+$0x2140]  }
.Ltmp1:
0x3b: {  	_ = 	snop;
	(pc) =	sbr.rel @p0 .LBB2_4-.Ltmp1, $2  }
0x3c: {  	_ =	sdelay $0x2  }
0x3d: {  	s21 =	sadd.s32 $0x140, s21;
	[tilespmem:v1+s12+$0x0] =	vst.idx.add.f32.msk $0xffff, v2  }
0x3e: {  	[spmem:s5] =	stream.strided.scatter [tilespmem:s12], [sflag:$0x3], $0x2800, s14, s13, $0x38;
	[tilespmem:$0xBC80] =	vst v63  }
0x3f: {  	_ =	swait.ge [sflag:s15], $0x2800  }
0x40: {  	[sflag:s15] =	ssyncset.done $0x0  }
0x41: {  	[sflag:s15] =	ssyncadd.s32 $0xFFFFD800  }
0x42: {  	[bflag:$0x0] =	sbarrier.arrive $0xFFFF  }
0x43: {  	[tilespmem:s18], [sflag:$0x3] =	stream.strided.gather [spmem:s6], $0x2800, s17, s16, $0x38;
	[tilespmem:$0xBC80] =	vst v63  }
0x44: {  	s21 =	simm.s32 $0x0;
	_ =	swait.ge [sflag:s15], $0x2800  }
0x45: {  	s22 =	sand.u32 $0x70, s21;
	s21 =	sand.u32 $0x1C00, s21;
	[sflag:s15] =	ssyncset.done $0x0  }
0x46: {  	s21 =	sor.u32 s22, s21;
	[sflag:s15] =	ssyncadd.s32 $0xFFFFD800  }
0x47: {  	v1 =	vld [tilespmem:s21+$0x9280]  }
0x48: {  	v2 =	vld [tilespmem:s21+$0x9200];
	_ =	sdelay $0x1  }
0x49: {  	v3 =	vld [tilespmem:s21+$0x9300];
	_ =	sdelay $0x1  }
0x4a: {  	v4 =	vld [tilespmem:s21+$0x9380]  }
0x4b: {  	v1 =	vadd.f32 v1, v2  }
0x4c: {  	v2 =	vld [tilespmem:s21+$0x9400]  }
0x4d: {  	v1 =	vadd.f32 v3, v1  }
0x4e: {  	v3 =	vld [tilespmem:s21+$0x9480]  }
0x4f: {  	v1 =	vadd.f32 v4, v1  }
0x50: {  	v60 =	vld [tilespmem:s21+$0x9500]  }
0x51: {  	v1 =	vadd.f32 v2, v1  }
0x52: {  	v2 =	vld [tilespmem:s21+$0x9580]  }
0x53: {  	v1 =	vadd.f32 v3, v1  }
0x54: {  	v3 =	vld [tilespmem:s21+$0xA600]  }
0x55: {  	v1 =	vadd.f32 v60, v1  }
0x56: {  	v61 =	vld [tilespmem:s21+$0xA680]  }
0x57: {  	v1 =	vadd.f32 v2, v1  }
0x58: {  	v2 =	vld [tilespmem:s21+$0xA700]  }
0x59: {  	v1 =	vadd.f32 v3, v1  }
0x5a: {  	v3 =	vld [tilespmem:s21+$0xA780]  }
0x5b: {  	v1 =	vadd.f32 v61, v1  }
0x5c: {  	v62 =	vld [tilespmem:s21+$0xA800]  }
0x5d: {  	v1 =	vadd.f32 v2, v1  }
0x5e: {  	v2 =	vld [tilespmem:s21+$0xA880]  }
0x5f: {  	v1 =	vadd.f32 v3, v1  }
0x60: {  	v3 =	vld [tilespmem:s21+$0xA900]  }
0x61: {  	v1 =	vadd.f32 v62, v1  }
0x62: {  	v63 =	vld [tilespmem:s21+$0xA980]  }
0x63: {  	v1 =	vadd.f32 v2, v1;
	_ =	sdelay $0x1  }
0x64: {  	v1 =	vadd.f32 v3, v1;
	_ =	sdelay $0x1  }
0x65: {  	s31 =	simm.s32 $0x10;
	s23 =	simm.s32 $0x80;
	v1 =	vadd.f32 v63, v1  }
0x66: {  	s24 =	sand.u32 $0x1C00, s23;
	s22 =	sand.u32 $0x70, s31;
	s21 =	simm.s32 $0xBA00  }
0x67: {  	s22 =	sor.u32 s22, s24;
	s24 =	simm.s32 $0x20;
	[tilespmem:s21+$0x0] =	vst v1  }
.LBB2_6:
0x68: {  	p0 =	sne.s32 s24, $0x270;
	v1 =	vld [tilespmem:s22+$0x9280]  }
0x69: {  	v2 =	vld [tilespmem:s22+$0x9200];
	_ =	sdelay $0x1  }
0x6a: {  	v3 =	vld [tilespmem:s22+$0x9300];
	_ =	sdelay $0x1  }
0x6b: {  	v4 =	vld [tilespmem:s22+$0x9380]  }
0x6c: {  	v1 =	vadd.f32 v1, v2  }
0x6d: {  	v2 =	vld [tilespmem:s22+$0x9400]  }
0x6e: {  	v1 =	vadd.f32 v3, v1  }
0x6f: {  	v3 =	vld [tilespmem:s22+$0x9480]  }
0x70: {  	v1 =	vadd.f32 v4, v1  }
0x71: {  	v4 =	vld [tilespmem:s22+$0x9500]  }
0x72: {  	v1 =	vadd.f32 v2, v1  }
0x73: {  	v2 =	vld [tilespmem:s22+$0x9580]  }
0x74: {  	v1 =	vadd.f32 v3, v1  }
0x75: {  	v3 =	vld [tilespmem:s22+$0xA600]  }
0x76: {  	v1 =	vadd.f32 v4, v1  }
0x77: {  	v4 =	vld [tilespmem:s22+$0xA680]  }
0x78: {  	v1 =	vadd.f32 v2, v1  }
0x79: {  	v2 =	vld [tilespmem:s22+$0xA700]  }
0x7a: {  	v1 =	vadd.f32 v3, v1  }
0x7b: {  	v3 =	vld [tilespmem:s22+$0xA780]  }
0x7c: {  	v1 =	vadd.f32 v4, v1  }
0x7d: {  	v4 =	vld [tilespmem:s22+$0xA800]  }
0x7e: {  	v1 =	vadd.f32 v2, v1  }
0x7f: {  	v2 =	vld [tilespmem:s22+$0xA880]  }
0x80: {  	v1 =	vadd.f32 v3, v1  }
0x81: {  	v3 =	vld [tilespmem:s22+$0xA900]  }
0x82: {  	v1 =	vadd.f32 v4, v1  }
0x83: {  	v4 =	vld [tilespmem:s22+$0xA980]  }
0x84: {  	v1 =	vadd.f32 v2, v1;
	_ =	sdelay $0x1  }
.Ltmp2:
0x85: {  	v1 =	vadd.f32 v3, v1;
	(pc) =	sbr.rel @p0 .LBB2_6-.Ltmp2, $4  }
0x86: {  	_ = 	snop  }
0x87: {  	s23 =	sadd.s32 $0x80, s23;
	v1 =	vadd.f32 v4, v1  }
0x88: {  	s21 =	sadd.s32 $0x10, s21;
	s25 =	sand.u32 $0x1C00, s23;
	s22 =	sand.u32 $0x70, s24  }
0x89: {  	s24 =	sadd.s32 $0x10, s24;
	s22 =	sor.u32 s22, s25;
	[tilespmem:s21+$0x0] =	vst v1  }
0x8a: {  	v1 =	vld [tilespmem:s22+$0x9280]  }
0x8b: {  	v2 =	vld [tilespmem:s22+$0x9200];
	_ =	sdelay $0x1  }
0x8c: {  	v3 =	vld [tilespmem:s22+$0x9300];
	_ =	sdelay $0x1  }
0x8d: {  	v4 =	vld [tilespmem:s22+$0x9380]  }
0x8e: {  	v1 =	vadd.f32 v1, v2  }
0x8f: {  	v2 =	vld [tilespmem:s22+$0x9400]  }
0x90: {  	v1 =	vadd.f32 v3, v1  }
0x91: {  	v3 =	vld [tilespmem:s22+$0x9480]  }
0x92: {  	v1 =	vadd.f32 v4, v1  }
0x93: {  	v60 =	vld [tilespmem:s22+$0x9500]  }
0x94: {  	v1 =	vadd.f32 v2, v1  }
0x95: {  	v2 =	vld [tilespmem:s22+$0x9580]  }
0x96: {  	v1 =	vadd.f32 v3, v1  }
0x97: {  	v3 =	vld [tilespmem:s22+$0xA600]  }
0x98: {  	v1 =	vadd.f32 v60, v1  }
0x99: {  	v61 =	vld [tilespmem:s22+$0xA680]  }
0x9a: {  	v1 =	vadd.f32 v2, v1  }
0x9b: {  	v2 =	vld [tilespmem:s22+$0xA700]  }
0x9c: {  	v1 =	vadd.f32 v3, v1  }
0x9d: {  	v3 =	vld [tilespmem:s22+$0xA780]  }
0x9e: {  	v1 =	vadd.f32 v61, v1  }
0x9f: {  	v62 =	vld [tilespmem:s22+$0xA800]  }
0xa0: {  	v1 =	vadd.f32 v2, v1  }
0xa1: {  	v2 =	vld [tilespmem:s22+$0xA880]  }
0xa2: {  	v1 =	vadd.f32 v3, v1  }
0xa3: {  	v3 =	vld [tilespmem:s22+$0xA900]  }
0xa4: {  	v1 =	vadd.f32 v62, v1  }
0xa5: {  	v63 =	vld [tilespmem:s22+$0xA980]  }
0xa6: {  	v1 =	vadd.f32 v2, v1;
	_ =	sdelay $0x1  }
0xa7: {  	v1 =	vadd.f32 v3, v1;
	_ =	sdelay $0x1  }
0xa8: {  	s20 =	sadd.s32 $0x1, s20;
	v1 =	vadd.f32 v63, v1  }
0xa9: {  	s21 =	sadd.s32 $0x10, s21;
	p0 =	sne.s32 s20, s8  }
.Ltmp3:
0xaa: {  	[tilespmem:s21+$0x0] =	vst v1;
	(pc) =	sbr.rel @p0 .LBB2_1-.Ltmp3, $4  }
0xab: {  	[hbm4b:s7+s2] =	stream.linear.scatter [tilespmem:s19], [sflag:$0x3], $0x280, $0x38;
	[tilespmem:$0xBC80] =	vst v63  }
0xac: {  	_ =	swait.ge [sflag:s15], $0x280  }
0xad: {  	[sflag:s15] =	ssyncset.done $0x0  }
0xae: {  	[sflag:s15] =	ssyncadd.s32 $0xFFFFFD80  }
0xaf: {  	_ =	sfence.sel $0x180000  }
0xb0: {  	[bflag:$0x0] =	sbarrier.arrive $0xFFFF  }
0xb1: {  	p0 =	sne.s32 s1, $0x0;
	_ =	strace $0x90000047  }
0xb2: {  	s0 =	sadd.s32 @!p0 $0x100000, s0;
	[bflag:$0x2] =	sbarrier.arrive $0xFFFF  }
0xb3: {  	[sflag:s0] =	ssyncadd.tile.s32 @!p0 $0x1;
	_ =	shalt  }
.Lfunc_end2:
_tile_overlayer_lowered:
.L_overlay_start_2:
0xb4: {  	(tag) =	ssettag $0x2  }
0xb5: {  	s0 =	rddreg [dreg:$0x0];
	s2 =	stileid.u32  }
0xb6: {  	s1 =	rddreg [dreg:$0x1];
	p0 =	sne.s32 s2, $0x0  }
0xb7: {  	s3 =	rddreg [dreg:$0x2];
	[bflag:$0x3] =	sbarrier.arrive $0xFFFF;
	s2 =	simm.s32 @!p0 $0x1C03  }
0xb8: {  	[timem:s3], [sflag:s2] =	dma.local @!p0 [hbm:s0], s1  }
0xb9: {  	s0 =	simm.s32 @!p0 $0x3  }
0xba: {  	_ =	swait.ge @!p0 [sflag:s0], s1  }
0xbb: {  	s1 =	ssub.s32 @!p0 $0x0, s1;
	[sflag:s0] =	ssyncset.done @!p0 $0x0  }
0xbc: {  	[sflag:s0] =	ssyncadd.s32 @!p0 s1  }
0xbd: {  	[bflag:$0x3] =	sbarrier.arrive $0xFFFF  }
0xbe: {  	_ =	shalt  }

// kernel: kernel.9.cloned.1.call-start
scs
__scs_entry_jumppad:
0x0: {  	(pc) =	sbr.rel $0x88, $3  }
0x1: {  	(tag) =	ssettag $0x0;
	lr =	simm.s32 $0x1  }
0x2: {  	[smem:$0x3F9D] =	sst lr;
	_ =	strace $0xD0000000  }
0x3: {  	_ = 	snop  }
0x4: {  	_ = 	snop  }
0x5: {  	_ = 	snop  }
0x6: {  	_ = 	snop  }
0x7: {  	_ = 	snop  }
__scs_overlays_trampoline_lowered:
0x8: {  	[smem:$0x3FAC] =	sst s0  }
0x9: {  	[smem:$0x3FAD] =	sst s1  }
0xa: {  	[smem:$0x3FAE] =	sst s2  }
0xb: {  	[smem:$0x3FAF] =	sst s3  }
0xc: {  	[smem:$0x3FB0] =	sst s4  }
0xd: {  	[smem:$0x3FB1] =	sst s5  }
0xe: {  	[smem:$0x3FB2] =	sst s6  }
0xf: {  	[smem:$0x3FB3] =	sst s7  }
0x10: {  	[smem:$0x3FB4] =	sst s8  }
0x11: {  	[smem:$0x3FB5] =	sst s9;
	s0 =	simm.s32 @!p0 $0x0  }
0x12: {  	s1 =	sld [smem:$0x3F9B];
	s0 =	simm.s32 @p0 $0x1  }
0x13: {  	[smem:$0x3FB6] =	sst s0;
	s0 =	simm.s32 @!p1 $0x0  }
0x14: {  	s2 =	sld [smem:$0x3F9A];
	s0 =	simm.s32 @p1 $0x1  }
0x15: {  	[smem:$0x3FB7] =	sst s0;
	s0 =	simm.s32 @!p2 $0x0  }
0x16: {  	s3 =	sld [smem:$0x3FDB];
	s0 =	simm.s32 @p2 $0x1  }
0x17: {  	s4 =	simm.s32 $0x1BF5;
	[smem:$0x3FB9] =	sst s0  }
0x18: {  	s0 =	sld [smem:$0x3F9C];
	_ =	swait.ge [sflag:s4], $0x0  }
0x19: {  	s7 =	sld [smem:$0x3F9D]  }
0x1a: {  	s8 =	sadd.s32 $0xFFFFE003, lr  }
0x1b: {  	s9 =	sadd.s32 $0xFFFFFEF7, lr;
	s5 =	simm.s32 $0xFFFFFFFF;
	p2 =	slt.u32 s8, $0xFFFFF086  }
0x1c: {  	p1 =	slt.u32 s9, $0xF7A;
	s5 =	simm.s32 @!p2 $0x0  }
0x1d: {  	s5 =	simm.s32 @p1 $0x1;
	p0 =	seq.s32 s7, s2  }
0x1e: {  	s7 =	smul.u32 @!p0 $0xF7A, s2;
	p2 =	seq.s32 @!p0 s5, $0x0  }
0x1f: {  	s9 =	smul.u32 $0xF7A, s1;
	s8 =	simm.s32 @!p0 $0x1BF5;
	p2 =	por !p2, p0  }
0x20: {  	[sflag:s8] =	ssyncset.s32 @!p0 $0xFFFFF086;
	s6 =	sadd.s32 @!p0 s3, s7;
	s7 =	simm.s32 @!p0 $0x108  }
0x21: {  	s3 =	sadd.s32 s3, s9;
	s6 =	sadd.s32 @!p0 $0x88, s6;
	s7 =	simm.s32 @p2 $0x1082  }
0x22: {  	[simem:s7], [sflag:s8] =	dma.local @!p0 [hbm:s6], $0xF7A  }
0x23: {  	s9 =	sor.u32 $0xD0000000, s2;
	s6 =	simm.s32 $0x108;
	_ =	swait.ge @!p0 [sflag:s8], $0x0  }
0x24: {  	s3 =	sadd.s32 $0x88, s3;
	s6 =	simm.s32 @!p1 $0x1082;
	[sflag:s4] =	ssyncset.s32 $0xFFFFF086  }
0x25: {  	[simem:s6], [sflag:s4] =	dma.local [hbm:s3], $0xF7A  }
0x26: {  	[smem:$0x3F9D] =	sst s1;
	(tag) =	ssettag s2;
	_ =	strace s9  }
0x27: {  	s1 =	sld [smem:$0x3FAD]  }
0x28: {  	s2 =	sld [smem:$0x3FAE]  }
0x29: {  	s4 =	sld [smem:$0x3FB0]  }
0x2a: {  	p0 =	seq.s32 s5, $0x0;
	s5 =	sld [smem:$0x3FB1]  }
0x2b: {  	s6 =	sld [smem:$0x3FB2]  }
0x2c: {  	s7 =	sld [smem:$0x3FB3]  }
0x2d: {  	s3 =	simm.s32 $0x108;
	s8 =	sld [smem:$0x3FB4]  }
0x2e: {  	s3 =	simm.s32 @!p0 $0x1082;
	s9 =	sld [smem:$0x3FB5]  }
0x2f: {  	lr =	sadd.s32 s0, s3;
	s0 =	sld [smem:$0x3FAC]  }
0x30: {  	s3 =	sld [smem:$0x3FAF]  }
0x31: {  	[smem:$0x3FB8] =	sst s10  }
0x32: {  	s10 =	sld [smem:$0x3FB6];
	_ =	sdelay $0x3  }
0x33: {  	p0 =	seq.s32 s10, $0x1;
	s10 =	sld [smem:$0x3FB8];
	_ =	sdelay $0x3  }
0x34: {  	[smem:$0x3FB8] =	sst s10  }
0x35: {  	s10 =	sld [smem:$0x3FB7];
	_ =	sdelay $0x3  }
0x36: {  	p1 =	seq.s32 s10, $0x1;
	s10 =	sld [smem:$0x3FB8];
	_ =	sdelay $0x3  }
0x37: {  	[smem:$0x3FB8] =	sst s10  }
0x38: {  	s10 =	sld [smem:$0x3FB9]  }
0x39: {  	_ = 	snop;
	(pc) =	sbr.ind lr, $3  }
0x3a: {  	_ = 	snop  }
0x3b: {  	_ = 	snop  }
0x3c: {  	p2 =	seq.s32 s10, $0x1;
	s10 =	sld [smem:$0x3FB8]  }
0x3d: {  	_ =	shalt  }
0x3e: {  	_ =	shalt  }
0x3f: {  	_ =	shalt  }
0x40: {  	_ =	shalt  }
0x41: {  	_ =	shalt  }
0x42: {  	_ =	shalt  }
0x43: {  	_ =	shalt  }
0x44: {  	_ =	shalt  }
0x45: {  	_ =	shalt  }
0x46: {  	_ =	shalt  }
0x47: {  	_ =	shalt  }
0x48: {  	_ =	shalt  }
0x49: {  	_ =	shalt  }
0x4a: {  	_ =	shalt  }
0x4b: {  	_ =	shalt  }
0x4c: {  	_ =	shalt  }
0x4d: {  	_ =	shalt  }
0x4e: {  	_ =	shalt  }
0x4f: {  	_ =	shalt  }
0x50: {  	_ =	shalt  }
0x51: {  	_ =	shalt  }
0x52: {  	_ =	shalt  }
0x53: {  	_ =	shalt  }
0x54: {  	_ =	shalt  }
0x55: {  	_ =	shalt  }
0x56: {  	_ =	shalt  }
0x57: {  	_ =	shalt  }
0x58: {  	_ =	shalt  }
0x59: {  	_ =	shalt  }
0x5a: {  	_ =	shalt  }
0x5b: {  	_ =	shalt  }
0x5c: {  	_ =	shalt  }
0x5d: {  	_ =	shalt  }
0x5e: {  	_ =	shalt  }
0x5f: {  	_ =	shalt  }
0x60: {  	_ =	shalt  }
0x61: {  	_ =	shalt  }
0x62: {  	_ =	shalt  }
0x63: {  	_ =	shalt  }
0x64: {  	_ =	shalt  }
0x65: {  	_ =	shalt  }
0x66: {  	_ =	shalt  }
0x67: {  	_ =	shalt  }
0x68: {  	_ =	shalt  }
0x69: {  	_ =	shalt  }
0x6a: {  	_ =	shalt  }
0x6b: {  	_ =	shalt  }
0x6c: {  	_ =	shalt  }
0x6d: {  	_ =	shalt  }
0x6e: {  	_ =	shalt  }
0x6f: {  	_ =	shalt  }
0x70: {  	_ =	shalt  }
0x71: {  	_ =	shalt  }
0x72: {  	_ =	shalt  }
0x73: {  	_ =	shalt  }
0x74: {  	_ =	shalt  }
0x75: {  	_ =	shalt  }
0x76: {  	_ =	shalt  }
0x77: {  	_ =	shalt  }
0x78: {  	_ =	shalt  }
0x79: {  	_ =	shalt  }
0x7a: {  	_ =	shalt  }
0x7b: {  	_ =	shalt  }
0x7c: {  	_ =	shalt  }
0x7d: {  	_ =	shalt  }
0x7e: {  	_ =	shalt  }
0x7f: {  	_ =	shalt  }
0x80: {  	_ =	shalt  }
0x81: {  	_ =	shalt  }
0x82: {  	_ =	shalt  }
0x83: {  	_ =	shalt  }
0x84: {  	_ =	shalt  }
0x85: {  	_ =	shalt  }
0x86: {  	_ =	shalt  }
0x87: {  	_ =	shalt  }
.Lfunc_end0:
.L_simem_size_0:
called_computation.1_lowered:
.L_overlay_start_0:
0x88: {  	s2 =	sld [smem:$0x3FD9]  }
0x89: {  	s3 =	sld [smem:$0x3FFE];
	_ =	sdelay $0x1  }
0x8a: {  	s1 =	srdreg.scid  }
0x8b: {  	s0 =	sand.u32 $0x1, s1  }
0x8c: {  	s17 =	sshll.u32 s0, $0xA;
	s2 =	sadd.s32 s3, s2  }
0x8d: {  	s2 =	sadd.s32 s2, s17  }
0x8e: {  	[smem:$0x3FC4] =	sst s2  }
0x8f: {  	_ = 	snop  }
0x90: {  	s18 =	sld [smem:$0x3FC9];
	(tm) =	ssettm $0x1  }
0x91: {  	s19 =	sld [smem:$0x3FFB];
	_ =	sdelay $0x3  }
0x92: {  	_ =	strace s19  }
0x93: {  	s2 =	sld [smem:$0x3FFC];
	_ =	sdelay $0x3  }
0x94: {  	_ =	strace s2  }
0x95: {  	s2 =	sld [smem:$0x3FFD];
	_ =	sdelay $0x3  }
0x96: {  	_ =	strace s2  }
0x97: {  	_ =	strace $0x8FFFFFFF  }
0x98: {  	s20 =	sld [smem:$0x3FDB];
	_ =	sdelay $0x1  }
0x99: {  	s4 =	simm.s32 $_scs_section_size  }
0x9a: {  	s5 =	simm.s32 $_size__tile_overlayer_lowered;
	s6 =	simm.s32 $_tile_overlayer_lowered  }
0x9b: {  	s7 =	simm.s32 $0x1BFF;
	s21 =	sshll.u32 s6, $0x1;
	s4 =	sadd.s32 s4, s20  }
0x9c: {  	s22 =	simm.s32 $0x0;
	s5 =	sshll.u32 s5, $0x1;
	s6 =	sadd.s32 s21, s4  }
0x9d: {  	[timem:s22], [sflag:s7] =	dma.local [hbm:s6], s5  }
0x9e: {  	_ =	swait.ge [sflag:s7], s5  }
0x9f: {  	s5 =	ssub.s32 $0x0, s5;
	[sflag:s7] =	ssyncset.done $0x0  }
0xa0: {  	[sflag:s7] =	ssyncadd.s32 s5;
	_ =	sdelay $0x1  }
0xa1: {  	s23 =	simm.s32 $0x1B8B  }
0xa2: {  	_ =	swait.ge [sflag:s23], $0x1  }
0xa3: {  	[sflag:s23] =	ssyncset.done $0x0  }
0xa4: {  	[sflag:s23] =	ssyncadd.s32 $0xFFFFFFFF  }
0xa5: {  	s5 =	sld [smem:$0x0]  }
0xa6: {  	s6 =	sand.u32 $0xFFFFFFFE, s1  }
0xa7: {  	p0 =	sne.s32 s1, s6  }
0xa8: {  	s6 =	sshll.u32 @p0 s6, $0xE  }
0xa9: {  	s6 =	sadd.s32 @p0 $0x11B8D, s6;
	s7 =	sshll.u32 @p0 s5, $0x11  }
0xaa: {  	s6 =	sor.u32 @p0 s7, s6  }
0xab: {  	[sflag:s6] =	ssyncadd.remote.s32 @p0 $0x1;
	_ =	sdelay $0x1  }
0xac: {  	s6 =	simm.s32 @p0 $0x1B8D  }
0xad: {  	_ =	swait.eq @p0 [sflag:s6], $0x1  }
0xae: {  	[sflag:s6] =	ssyncadd.s32 @p0 $0xFFFFFFFF  }
0xaf: {  	s7 =	sshll.u32 @!p0 s1, $0xE  }
0xb0: {  	s7 =	sor.u32 @!p0 $0x4000, s7;
	s6 =	simm.s32 @!p0 $0x1B8D  }
0xb1: {  	s5 =	sshll.u32 @!p0 s5, $0x11;
	s7 =	sadd.s32 @!p0 $0x11B8D, s7;
	_ =	swait.eq @!p0 [sflag:s6], $0x1  }
0xb2: {  	s5 =	sor.u32 @!p0 s5, s7;
	[sflag:s6] =	ssyncadd.s32 @!p0 $0xFFFFFFFF  }
0xb3: {  	s25 =	simm.s32 $0x1B8E;
	s24 =	sld [smem:$0x3FFE];
	[sflag:s5] =	ssyncadd.remote.s32 @!p0 $0x1  }
0xb4: {  	s26 =	simm.s32 $execute0_lowered;
	[smem:$0x3FD2] =	sst s25  }
0xb5: {  	s6 =	sshll.u32 s26, $0x1;
	_ =	strace $0x80000049;
	[dreg:$0x1] =	wrdreg $0xFFFFFFFF  }
0xb6: {  	s28 =	simm.s32 $_size_execute0_lowered;
	s4 =	sadd.s32 s4, s6;
	[dreg:$0x0] =	wrdreg $0x0  }
0xb7: {  	s6 =	sshll.u32 s28, $0x1;
	[dreg:$0x2] =	wrdreg s4  }
0xb8: {  	[dreg:$0x3] =	wrdreg s6  }
0xb9: {  	[dreg:$0x4] =	wrdreg $0xC0  }
0xba: {  	_ =	task [dreg:s22], $0x5FFFF  }
0xbb: {  	[dreg:$0x1] =	wrdreg $0xFFFFFFFF  }
0xbc: {  	[dreg:$0x0] =	wrdreg $0x60  }
0xbd: {  	[dreg:$0x2] =	wrdreg s18  }
0xbe: {  	[dreg:$0x3] =	wrdreg s24  }
0xbf: {  	[dreg:$0x4] =	wrdreg $0x35000  }
0xc0: {  	[dreg:$0x5] =	wrdreg $0xA  }
0xc1: {  	_ =	task.clear_ibuf [dreg:s22], $0x6FFFF;
	_ =	strace $0x90000049  }
0xc2: {  	s29 =	simm.s32 $0xA;
	_ =	strace $0x8000004B  }
0xc3: {  	_ =	swait.ge [sflag:s29], $0x1  }
0xc4: {  	[sflag:s29] =	ssyncadd.s32 $0xFFFFFFFF  }
0xc5: {  	_ =	strace $0x9000004B  }
0xc6: {  	_ =	sfence  }
0xc7: {  	s30 =	sld [smem:$0x0];
	_ =	sdelay $0x2  }
0xc8: {  	s31 =	sshll.u32 s1, $0xD;
	s1 =	sshrl.u32 s1, $0x2  }
0xc9: {  	s4 =	sand.u32 $0x4000, s31;
	s1 =	sadd.s32 s1, s30  }
0xca: {  	s0 =	sor.u32 s4, s0;
	s1 =	sshll.u32 s1, $0x11  }
0xcb: {  	s0 =	sor.u32 s1, s0  }
0xcc: {  	s0 =	sadd.s32 $0x8F2B, s0  }
0xcd: {  	[sflag:s0] =	ssyncadd.remote.s32 $0x1  }
0xce: {  	_ =	sfence.sel $0xFFFF  }
0xcf: {  	[dreg:$0x0] =	wrdreg $0xFFFFFFFF;
	(pc) =	sbr.abs _section_cstart, $3  }
0xd0: {  	[dreg:$0x1] =	wrdreg $0xFFFFFFFF  }
0xd1: {  	_ =	task.clear_ibuf [dreg:s22], $0x2FFFF;
	_ =	strace $0x9FFFFFFF  }
0xd2: {  	(tm) =	ssettm $0x7FFFFFFF  }
0xd3: {  	_ =	shalt  }
tec
execute0_lowered:
.L_overlay_start_1:
0x0: {  	(tag) =	ssettag $0x1  }
0x1: {  	s3 =	rddreg [dreg:$0x0]  }
0x2: {  	s1 =	srdreg.scid;
	s5 =	rddreg [dreg:$0x1]  }
0x3: {  	s0 =	stileid.u32;
	s6 =	rddreg [dreg:$0x2]  }
0x4: {  	s2 =	simm.s32 $0x0;
	s12 =	simm.s32 $0xD00;
	s13 =	simm.s32 $0x80  }
0x5: {  	s14 =	simm.s32 $0x400;
	s15 =	simm.s32 $0x3;
	s16 =	simm.s32 $0x1400  }
0x6: {  	s17 =	simm.s32 $0x14000;
	s18 =	simm.s32 $0x5D00;
	s19 =	simm.s32 $0x8500  }
0x7: {  	s20 =	simm.s32 $0x0;
	s4 =	sand.u32 $0x1, s1;
	s25 =	sshll.u32 s0, $0x1  }
0x8: {  	s8 =	smul.u32 $0x280, s0;
	[smem:$0x7FF] =	sst s2;
	s26 =	sshrl.u32 s0, $0x3  }
0x9: {  	s28 =	sshll.u32 s0, $0x7;
	s30 =	smul.u32 $0x5000, s0;
	s1 =	sor.u32 s4, s25  }
0xa: {  	s9 =	smul.u32 $0x2800, s4;
	s4 =	ssub.s32 $0x2, s4;
	s31 =	sand.u32 $0x380, s28  }
0xb: {  	s7 =	smul.u32 $0x640, s1;
	s1 =	rddreg [dreg:$0x3];
	_ =	strace $0x8000004A  }
0xc: {  	s11 =	sshrl.u32 s4, $0x1;
	s8 =	sadd.s32 s8, s9;
	s9 =	smul.u32 $0x50000, s26  }
0xd: {  	s11 =	ssub.s32 s4, s11;
	s7 =	sshrl.u32 s7, $0x3;
	s8 =	sshrl.u32 s8, $0x3  }
0xe: {  	s10 =	sadd.s32 s7, s5;
	s8 =	sadd.s32 s8, s5;
	s3 =	sadd.s32 s3, s7  }
0xf: {  	s29 =	sshrl.u32 s9, $0x2;
	s7 =	sshrl.u32 s30, $0x2;
	s9 =	simm.s32 $0x680  }
0x10: {  	s3 =	sadd.s32 $0x8340, s3;
	s5 =	sadd.s32 s29, s6;
	s4 =	sadd.s32 $0x9800, s10  }
0x11: {  	s6 =	sadd.s32 s7, s6;
	s7 =	sadd.s32 $0xB200, s8;
	s8 =	smax.u32 s11, $0x1  }
0x12: {  	v0 =	vimm.f32 $0.0e+00;
	s10 =	simm.s32 $0x1;
	s11 =	simm.s32 $0x2;
	s5 =	sadd.s32 s31, s5  }
.LBB2_1:
0x13: {  	[tilespmem:s2], [sflag:$0x1] =	stream.linear.gather [hbm4b:s3+s2], $0x640, $0x38;
	[tilespmem:$0x8780] =	vst v63  }
0x14: {  	s21 =	simm.s32 $0x0;
	s22 =	simm.s32 $0x200  }
0x15: {  	[tilespmem:s9], [sflag:$0x2] =	stream.linear.gather [hbm4b:s4+s2], $0x640, $0x38;
	[tilespmem:$0x8780] =	vst v63  }
.LBB2_2:
0x16: {  	p0 =	sne.s32 s22, $0x9E00;
	[tilespmem:s21+$0xD70] =	vst v0  }
0x17: {  	[tilespmem:s21+$0xD00] =	vst v0  }
0x18: {  	[tilespmem:s21+$0xD10] =	vst v0  }
.Ltmp0:
0x19: {  	[tilespmem:s21+$0xD20] =	vst v0;
	(pc) =	sbr.rel @p0 .LBB2_2-.Ltmp0, $4  }
0x1a: {  	[tilespmem:s21+$0xD30] =	vst v0  }
0x1b: {  	[tilespmem:s21+$0xD40] =	vst v0  }
0x1c: {  	[tilespmem:s21+$0xD50] =	vst v0  }
0x1d: {  	[tilespmem:s21+$0xD60] =	vst v0;
	s21 =	sshra.s32 s22, $0x2;
	s22 =	sadd.s32 $0x200, s22  }
0x1e: {  	[tilespmem:s21+$0xD70] =	vst v0  }
0x1f: {  	[tilespmem:s21+$0xD00] =	vst v0  }
0x20: {  	[tilespmem:s21+$0xD10] =	vst v0  }
0x21: {  	[tilespmem:s21+$0xD20] =	vst v0  }
0x22: {  	[tilespmem:s21+$0xD30] =	vst v0  }
0x23: {  	[tilespmem:s21+$0xD40] =	vst v0  }
0x24: {  	[tilespmem:s21+$0xD50] =	vst v0  }
0x25: {  	[tilespmem:s21+$0xD60] =	vst v0  }
0x26: {  	_ =	swait.ge [sflag:s10], $0x640  }
0x27: {  	[sflag:s10] =	ssyncset.done $0x0  }
0x28: {  	[sflag:s10] =	ssyncadd.s32 $0xFFFFF9C0  }
0x29: {  	_ =	swait.ge [sflag:s11], $0x640  }
0x2a: {  	[sflag:s11] =	ssyncset.done $0x0  }
0x2b: {  	s21 =	simm.s32 $0x0;
	[sflag:s11] =	ssyncadd.s32 $0xFFFFF9C0  }
.LBB2_4:
0x2c: {  	s22 =	sshra.s32 s21, $0x2  }
0x2d: {  	v1 =	vld [tilespmem:s22+$0x0];
	_ =	sdelay $0x2  }
0x2e: {  	v2 =	vld [tilespmem:s22+$0x680];
	_ =	sdelay $0x4  }
0x2f: {  	[tilespmem:v1+s12+$0x0] =	vst.idx.add.f32.msk $0xffff, v2  }
0x30: {  	v1 =	vld [tilespmem:s22+$0x10];
	_ =	sdelay $0x2  }
0x31: {  	v2 =	vld [tilespmem:s22+$0x690];
	_ =	sdelay $0x4  }
0x32: {  	[tilespmem:v1+s12+$0x0] =	vst.idx.add.f32.msk $0xffff, v2  }
0x33: {  	v1 =	vld [tilespmem:s22+$0x20];
	_ =	sdelay $0x2  }
0x34: {  	v2 =	vld [tilespmem:s22+$0x6A0];
	_ =	sdelay $0x4  }
0x35: {  	[tilespmem:v1+s12+$0x0] =	vst.idx.add.f32.msk $0xffff, v2  }
0x36: {  	v1 =	vld [tilespmem:s22+$0x30];
	_ =	sdelay $0x2  }
0x37: {  	v2 =	vld [tilespmem:s22+$0x6B0];
	_ =	sdelay $0x4  }
0x38: {  	[tilespmem:v1+s12+$0x0] =	vst.idx.add.f32.msk $0xffff, v2  }
0x39: {  	v1 =	vld [tilespmem:s22+$0x40];
	_ =	sdelay $0x2  }
0x3a: {  	p0 =	sne.s32 s21, $0x17C0;
	v2 =	vld [tilespmem:s22+$0x6C0]  }
.Ltmp1:
0x3b: {  	_ = 	snop;
	(pc) =	sbr.rel @p0 .LBB2_4-.Ltmp1, $2  }
0x3c: {  	_ =	sdelay $0x2  }
0x3d: {  	s21 =	sadd.s32 $0x140, s21;
	[tilespmem:v1+s12+$0x0] =	vst.idx.add.f32.msk $0xffff, v2  }
0x3e: {  	[spmem:s5] =	stream.strided.scatter [tilespmem:s12], [sflag:$0x3], $0x2800, s14, s13, $0x38;
	[tilespmem:$0x8780] =	vst v63  }
0x3f: {  	_ =	swait.ge [sflag:s15], $0x2800  }
0x40: {  	[sflag:s15] =	ssyncset.done $0x0  }
0x41: {  	[sflag:s15] =	ssyncadd.s32 $0xFFFFD800  }
0x42: {  	[bflag:$0x0] =	sbarrier.arrive $0xFFFF  }
0x43: {  	[tilespmem:s18], [sflag:$0x3] =	stream.strided.gather [spmem:s6], $0x2800, s17, s16, $0x38;
	[tilespmem:$0x8780] =	vst v63  }
0x44: {  	s21 =	simm.s32 $0x0;
	_ =	swait.ge [sflag:s15], $0x2800  }
0x45: {  	s22 =	sand.u32 $0x70, s21;
	s21 =	sand.u32 $0x1C00, s21;
	[sflag:s15] =	ssyncset.done $0x0  }
0x46: {  	s21 =	sor.u32 s22, s21;
	[sflag:s15] =	ssyncadd.s32 $0xFFFFD800  }
0x47: {  	v1 =	vld [tilespmem:s21+$0x5D80]  }
0x48: {  	v2 =	vld [tilespmem:s21+$0x5D00];
	_ =	sdelay $0x1  }
0x49: {  	v3 =	vld [tilespmem:s21+$0x5E00];
	_ =	sdelay $0x1  }
0x4a: {  	v4 =	vld [tilespmem:s21+$0x5E80]  }
0x4b: {  	v1 =	vadd.f32 v1, v2  }
0x4c: {  	v2 =	vld [tilespmem:s21+$0x5F00]  }
0x4d: {  	v1 =	vadd.f32 v3, v1  }
0x4e: {  	v3 =	vld [tilespmem:s21+$0x5F80]  }
0x4f: {  	v1 =	vadd.f32 v4, v1  }
0x50: {  	v60 =	vld [tilespmem:s21+$0x6000]  }
0x51: {  	v1 =	vadd.f32 v2, v1  }
0x52: {  	v2 =	vld [tilespmem:s21+$0x6080]  }
0x53: {  	v1 =	vadd.f32 v3, v1  }
0x54: {  	v3 =	vld [tilespmem:s21+$0x7100]  }
0x55: {  	v1 =	vadd.f32 v60, v1  }
0x56: {  	v61 =	vld [tilespmem:s21+$0x7180]  }
0x57: {  	v1 =	vadd.f32 v2, v1  }
0x58: {  	v2 =	vld [tilespmem:s21+$0x7200]  }
0x59: {  	v1 =	vadd.f32 v3, v1  }
0x5a: {  	v3 =	vld [tilespmem:s21+$0x7280]  }
0x5b: {  	v1 =	vadd.f32 v61, v1  }
0x5c: {  	v62 =	vld [tilespmem:s21+$0x7300]  }
0x5d: {  	v1 =	vadd.f32 v2, v1  }
0x5e: {  	v2 =	vld [tilespmem:s21+$0x7380]  }
0x5f: {  	v1 =	vadd.f32 v3, v1  }
0x60: {  	v3 =	vld [tilespmem:s21+$0x7400]  }
0x61: {  	v1 =	vadd.f32 v62, v1  }
0x62: {  	v63 =	vld [tilespmem:s21+$0x7480]  }
0x63: {  	v1 =	vadd.f32 v2, v1;
	_ =	sdelay $0x1  }
0x64: {  	v1 =	vadd.f32 v3, v1;
	_ =	sdelay $0x1  }
0x65: {  	s31 =	simm.s32 $0x10;
	s23 =	simm.s32 $0x80;
	v1 =	vadd.f32 v63, v1  }
0x66: {  	s24 =	sand.u32 $0x1C00, s23;
	s22 =	sand.u32 $0x70, s31;
	s21 =	simm.s32 $0x8500  }
0x67: {  	s22 =	sor.u32 s22, s24;
	s24 =	simm.s32 $0x20;
	[tilespmem:s21+$0x0] =	vst v1  }
.LBB2_6:
0x68: {  	p0 =	sne.s32 s24, $0x270;
	v1 =	vld [tilespmem:s22+$0x5D80]  }
0x69: {  	v2 =	vld [tilespmem:s22+$0x5D00];
	_ =	sdelay $0x1  }
0x6a: {  	v3 =	vld [tilespmem:s22+$0x5E00];
	_ =	sdelay $0x1  }
0x6b: {  	v4 =	vld [tilespmem:s22+$0x5E80]  }
0x6c: {  	v1 =	vadd.f32 v1, v2  }
0x6d: {  	v2 =	vld [tilespmem:s22+$0x5F00]  }
0x6e: {  	v1 =	vadd.f32 v3, v1  }
0x6f: {  	v3 =	vld [tilespmem:s22+$0x5F80]  }
0x70: {  	v1 =	vadd.f32 v4, v1  }
0x71: {  	v4 =	vld [tilespmem:s22+$0x6000]  }
0x72: {  	v1 =	vadd.f32 v2, v1  }
0x73: {  	v2 =	vld [tilespmem:s22+$0x6080]  }
0x74: {  	v1 =	vadd.f32 v3, v1  }
0x75: {  	v3 =	vld [tilespmem:s22+$0x7100]  }
0x76: {  	v1 =	vadd.f32 v4, v1  }
0x77: {  	v4 =	vld [tilespmem:s22+$0x7180]  }
0x78: {  	v1 =	vadd.f32 v2, v1  }
0x79: {  	v2 =	vld [tilespmem:s22+$0x7200]  }
0x7a: {  	v1 =	vadd.f32 v3, v1  }
0x7b: {  	v3 =	vld [tilespmem:s22+$0x7280]  }
0x7c: {  	v1 =	vadd.f32 v4, v1  }
0x7d: {  	v4 =	vld [tilespmem:s22+$0x7300]  }
0x7e: {  	v1 =	vadd.f32 v2, v1  }
0x7f: {  	v2 =	vld [tilespmem:s22+$0x7380]  }
0x80: {  	v1 =	vadd.f32 v3, v1  }
0x81: {  	v3 =	vld [tilespmem:s22+$0x7400]  }
0x82: {  	v1 =	vadd.f32 v4, v1  }
0x83: {  	v4 =	vld [tilespmem:s22+$0x7480]  }
0x84: {  	v1 =	vadd.f32 v2, v1;
	_ =	sdelay $0x1  }
.Ltmp2:
0x85: {  	v1 =	vadd.f32 v3, v1;
	(pc) =	sbr.rel @p0 .LBB2_6-.Ltmp2, $4  }
0x86: {  	_ = 	snop  }
0x87: {  	s23 =	sadd.s32 $0x80, s23;
	v1 =	vadd.f32 v4, v1  }
0x88: {  	s21 =	sadd.s32 $0x10, s21;
	s25 =	sand.u32 $0x1C00, s23;
	s22 =	sand.u32 $0x70, s24  }
0x89: {  	s24 =	sadd.s32 $0x10, s24;
	s22 =	sor.u32 s22, s25;
	[tilespmem:s21+$0x0] =	vst v1  }
0x8a: {  	v1 =	vld [tilespmem:s22+$0x5D80]  }
0x8b: {  	v2 =	vld [tilespmem:s22+$0x5D00];
	_ =	sdelay $0x1  }
0x8c: {  	v3 =	vld [tilespmem:s22+$0x5E00];
	_ =	sdelay $0x1  }
0x8d: {  	v4 =	vld [tilespmem:s22+$0x5E80]  }
0x8e: {  	v1 =	vadd.f32 v1, v2  }
0x8f: {  	v2 =	vld [tilespmem:s22+$0x5F00]  }
0x90: {  	v1 =	vadd.f32 v3, v1  }
0x91: {  	v3 =	vld [tilespmem:s22+$0x5F80]  }
0x92: {  	v1 =	vadd.f32 v4, v1  }
0x93: {  	v60 =	vld [tilespmem:s22+$0x6000]  }
0x94: {  	v1 =	vadd.f32 v2, v1  }
0x95: {  	v2 =	vld [tilespmem:s22+$0x6080]  }
0x96: {  	v1 =	vadd.f32 v3, v1  }
0x97: {  	v3 =	vld [tilespmem:s22+$0x7100]  }
0x98: {  	v1 =	vadd.f32 v60, v1  }
0x99: {  	v61 =	vld [tilespmem:s22+$0x7180]  }
0x9a: {  	v1 =	vadd.f32 v2, v1  }
0x9b: {  	v2 =	vld [tilespmem:s22+$0x7200]  }
0x9c: {  	v1 =	vadd.f32 v3, v1  }
0x9d: {  	v3 =	vld [tilespmem:s22+$0x7280]  }
0x9e: {  	v1 =	vadd.f32 v61, v1  }
0x9f: {  	v62 =	vld [tilespmem:s22+$0x7300]  }
0xa0: {  	v1 =	vadd.f32 v2, v1  }
0xa1: {  	v2 =	vld [tilespmem:s22+$0x7380]  }
0xa2: {  	v1 =	vadd.f32 v3, v1  }
0xa3: {  	v3 =	vld [tilespmem:s22+$0x7400]  }
0xa4: {  	v1 =	vadd.f32 v62, v1  }
0xa5: {  	v63 =	vld [tilespmem:s22+$0x7480]  }
0xa6: {  	v1 =	vadd.f32 v2, v1;
	_ =	sdelay $0x1  }
0xa7: {  	v1 =	vadd.f32 v3, v1;
	_ =	sdelay $0x1  }
0xa8: {  	s20 =	sadd.s32 $0x1, s20;
	v1 =	vadd.f32 v63, v1  }
0xa9: {  	s21 =	sadd.s32 $0x10, s21;
	p0 =	sne.s32 s20, s8  }
.Ltmp3:
0xaa: {  	[tilespmem:s21+$0x0] =	vst v1;
	(pc) =	sbr.rel @p0 .LBB2_1-.Ltmp3, $4  }
0xab: {  	[hbm4b:s7+s2] =	stream.linear.scatter [tilespmem:s19], [sflag:$0x3], $0x280, $0x38;
	[tilespmem:$0x8780] =	vst v63  }
0xac: {  	_ =	swait.ge [sflag:s15], $0x280  }
0xad: {  	[sflag:s15] =	ssyncset.done $0x0  }
0xae: {  	[sflag:s15] =	ssyncadd.s32 $0xFFFFFD80  }
0xaf: {  	_ =	sfence.sel $0x180000  }
0xb0: {  	[bflag:$0x0] =	sbarrier.arrive $0xFFFF  }
0xb1: {  	p0 =	sne.s32 s0, $0x0;
	_ =	strace $0x9000004A  }
0xb2: {  	s0 =	sadd.s32 @!p0 $0x100000, s1;
	[bflag:$0x2] =	sbarrier.arrive $0xFFFF  }
0xb3: {  	[sflag:s0] =	ssyncadd.tile.s32 @!p0 $0x1;
	_ =	shalt  }
.Lfunc_end2:
_tile_overlayer_lowered:
.L_overlay_start_2:
0xb4: {  	(tag) =	ssettag $0x2  }
0xb5: {  	s0 =	rddreg [dreg:$0x0];
	s2 =	stileid.u32  }
0xb6: {  	s1 =	rddreg [dreg:$0x1];
	p0 =	sne.s32 s2, $0x0  }
0xb7: {  	s3 =	rddreg [dreg:$0x2];
	[bflag:$0x3] =	sbarrier.arrive $0xFFFF;
	s2 =	simm.s32 @!p0 $0x1C03  }
0xb8: {  	[timem:s3], [sflag:s2] =	dma.local @!p0 [hbm:s0], s1  }
0xb9: {  	s0 =	simm.s32 @!p0 $0x3  }
0xba: {  	_ =	swait.ge @!p0 [sflag:s0], s1  }
0xbb: {  	s1 =	ssub.s32 @!p0 $0x0, s1;
	[sflag:s0] =	ssyncset.done @!p0 $0x0  }
0xbc: {  	[sflag:s0] =	ssyncadd.s32 @!p0 s1  }
0xbd: {  	[bflag:$0x3] =	sbarrier.arrive $0xFFFF  }
0xbe: {  	_ =	shalt  }

</sc_bundles>
